<compile_context>
chip_gen: v7x
topology: tpu7x:2x2x1
jax: 0.10.2.dev20260603
libtpu: 0.0.44.dev20260713+nightly
codegen_flags: <defaults>
</compile_context>

<pallas_src>
import functools

import jax
import jax.numpy as jnp
from jax import lax
from jax.experimental import pallas as pl
from jax.experimental.pallas import tpu as pltpu
from jax.experimental.pallas import tpu_sc as plsc

_L = 16


def _make_sc_call(n_batch, n_time, row_w, ncs, horizon, n_workers, chunk_elems):
    table_size = horizon * ncs
    assert n_batch % (n_workers * chunk_elems) == 0
    elems_per_w = n_batch // n_workers
    n_chunks = elems_per_w // chunk_elems
    assert n_chunks % 2 == 0
    chunk_rows = chunk_elems * n_time
    assert chunk_rows % _L == 0 and chunk_rows % 8 == 0
    groups = chunk_rows // _L
    n_rows = n_batch * n_time

    mesh = plsc.VectorSubcoreMesh(core_axis_name="c", subcore_axis_name="s")

    @functools.partial(
        pl.kernel,
        mesh=mesh,
        compiler_params=pltpu.CompilerParams(
            needs_layout_passes=False,
            use_tc_tiling_on_sc=False,
        ),
        out_type=jax.ShapeDtypeStruct((n_rows,), jnp.int32),
        scratch_types=[
            pltpu.VMEM((chunk_elems, n_time, row_w), jnp.float32),
            pltpu.VMEM((chunk_elems, n_time, row_w), jnp.float32),
            pltpu.VMEM((table_size,), jnp.int32),
            pltpu.VMEM((chunk_rows,), jnp.int32),
            pltpu.SemaphoreType.DMA,
            pltpu.SemaphoreType.DMA,
        ],
    )
    def sc_call(obs_hbm, dp_hbm, out_hbm, buf0, buf1, dpv, outv, sem0, sem1):
        num_cores = 2
        wid = lax.axis_index("s") * num_cores + lax.axis_index("c")
        base_elem = wid * elems_per_w
        base_row = base_elem * n_time

        pltpu.sync_copy(dp_hbm, dpv)

        def fetch(buf, sem, ch):
            pltpu.make_async_copy(
                obs_hbm.at[pl.ds(base_elem + ch * chunk_elems, chunk_elems)],
                buf,
                sem,
            ).start()

        def wait(buf, sem):
            pltpu.make_async_copy(
                obs_hbm.at[pl.ds(base_elem, chunk_elems)], buf, sem
            ).wait()

        iota = lax.iota(jnp.int32, _L)

        def compute_chunk(buf, ch):
            def g_body(g, carry):
                r = g * _L + iota
                recip = (1 << 18) // n_time + 1
                e = (r * recip) >> 18
                t = r - e * n_time
                cvec = jnp.zeros((_L,), jnp.int32)
                m = plsc.load_gather(buf, [e, t, cvec])
                s = jnp.zeros((_L,), jnp.int32)
                for c in range(1, ncs):
                    cvec = cvec + 1
                    v = plsc.load_gather(buf, [e, t, cvec])
                    gt = v > m
                    m = jnp.where(gt, v, m)
                    s = jnp.where(gt, c, s)
                tau = plsc.load_gather(buf, [e, t, cvec + 1])
                ti = (tau * float(horizon)).astype(jnp.int32)
                ti = jnp.clip(ti, 0, horizon - 1)
                act = plsc.load_gather(dpv, [ti * ncs + s])
                outv[pl.ds(g * _L, _L)] = act
                return carry

            lax.fori_loop(0, groups, g_body, 0, unroll=False)
            pltpu.sync_copy(
                outv, out_hbm.at[pl.ds(base_row + ch * chunk_rows, chunk_rows)]
            )

        fetch(buf0, sem0, 0)
        fetch(buf1, sem1, 1)

        def loop_body(i, carry):
            ch0 = 2 * i
            wait(buf0, sem0)
            compute_chunk(buf0, ch0)
            fetch(buf0, sem0, jnp.minimum(ch0 + 2, n_chunks - 1))
            ch1 = ch0 + 1
            wait(buf1, sem1)
            compute_chunk(buf1, ch1)
            fetch(buf1, sem1, jnp.minimum(ch1 + 2, n_chunks - 1))
            return carry

        lax.fori_loop(0, n_chunks // 2, loop_body, 0, unroll=False)
        wait(buf0, sem0)
        wait(buf1, sem1)

    return sc_call


def kernel(observation, dp_table):
    b, t, cw = observation.shape
    horizon, ncs = dp_table.shape
    info = plsc.get_sparse_core_info()
    n_workers = info.num_cores * info.num_subcores

    sc_call = _make_sc_call(
        n_batch=b,
        n_time=t,
        row_w=cw,
        ncs=ncs,
        horizon=horizon,
        n_workers=n_workers,
        chunk_elems=8,
    )
    dp_flat = dp_table.reshape(-1)
    out = sc_call(observation, dp_flat)
    return out.reshape(b, t)

# --- scband reference (transcript-rebuilt; emitter-appended) ---
"""Pipeline reference for scband-dppolicy-finite-horizon-64639257805041 (READ-ONLY COPY).

The authoritative reference and input builder live on the scoring server;
editing this copy changes nothing except your own understanding.
"""

import jax, jax.numpy as jnp
import numpy as np

NCS = 32
HORIZON = 8

def setup_inputs(seed: int = 0) -> dict:
    key = jax.random.key(seed)
    observation = jax.random.normal(key, (16384, 50, NCS + 1), dtype=jnp.float32)
    dp_table = ((jnp.arange(HORIZON)[:, None] + jnp.arange(NCS)[None, :]) % 8).astype(jnp.int32)
    return {"observation": observation, "dp_table": dp_table}

def reference(observation, dp_table):
    state_dis = observation[..., :NCS]
    tau = observation[..., NCS]
    s_idx = jnp.argmax(state_dis, axis=-1)
    t_idx = jnp.floor(tau * HORIZON).astype(jnp.int32)
    t_idx = jnp.clip(t_idx, 0, dp_table.shape[0] - 1)
    action = dp_table[t_idx, s_idx]
    return action

if __name__ == "__main__":
    import jax
    _d = setup_inputs()
    print(jax.jit(kernel)(*tuple(_d.values())))

</pallas_src>

<mosaic_0001>
#map = affine_map<(d0, d1) -> (0, 0, 0)>
#map1 = affine_map<(d0, d1) -> (0)>
module attributes {stable_mosaic.version = 14 : i64} {
  func.func @sc_call(%arg0: i32, %arg1: i32, %arg2: memref<16384x50x33xf32, #tpu.memory_space<hbm>>, %arg3: memref<256xi32, #tpu.memory_space<hbm>>, %arg4: memref<819200xi32, #tpu.memory_space<hbm>>, %arg5: memref<8x50x33xf32, #tpu.memory_space<vmem>>, %arg6: memref<8x50x33xf32, #tpu.memory_space<vmem>>, %arg7: memref<256xi32, #tpu.memory_space<vmem>>, %arg8: memref<400xi32, #tpu.memory_space<vmem>>, %arg9: memref<!tpu.dma_semaphore, #tpu.memory_space<semaphore_mem>>, %arg10: memref<!tpu.dma_semaphore, #tpu.memory_space<semaphore_mem>>) attributes {dimension_semantics = [#tpu.dimension_semantics<core_parallel>, #tpu.dimension_semantics<subcore_parallel>], iteration_bounds = array<i64: 2, 16>, scalar_prefetch = 0 : i64, scratch_operands = 6 : i64, tpu.core_type = #tpu.core_type<sc_vector_subcore>, window_params = [{transform_indices = #map}, {transform_indices = #map1}, {transform_indices = #map1}]} {
    %mul3A = arith.constant 2 : i32
    %mul3A_0 = arith.muli %arg1, %mul3A : i32
    %add3A = arith.addi %mul3A_0, %arg0 : i32
    %mul3A_1 = arith.constant 512 : i32
    %mul3A_2 = arith.muli %add3A, %mul3A_1 : i32
    %mul3A_3 = arith.constant 50 : i32
    %mul3A_4 = arith.muli %mul3A_2, %mul3A_3 : i32
    "tpu.region"() ({
      %run_scoped3A = tpu.sem_alloc : memref<!tpu.dma_semaphore, #tpu.memory_space<semaphore_mem>>
      tpu.enqueue_dma source(%arg3 : memref<256xi32, #tpu.memory_space<hbm>>) target(%arg7 : memref<256xi32, #tpu.memory_space<vmem>>) target_semaphore(%run_scoped3A : memref<!tpu.dma_semaphore, #tpu.memory_space<semaphore_mem>>)
      tpu.wait_dma2 semaphore(%run_scoped3A : memref<!tpu.dma_semaphore, #tpu.memory_space<semaphore_mem>>) src(%arg3 : memref<256xi32, #tpu.memory_space<hbm>>) dst(%arg7 : memref<256xi32, #tpu.memory_space<vmem>>)
      tpu.yield
    }) : () -> ()
    %iota3A = tpu.iota {dimensions = array<i32: 0>} : vector<16xi32>
    %add3A_5 = arith.constant 0 : i32
    %add3A_6 = arith.addi %mul3A_2, %add3A_5 : i32
    %dma_start3A = arith.constant 0 : i32
    %dma_start3A_7 = arith.constant 0 : i32
    %dma_start3A_8 = tpu.memref_slice %arg2[%add3A_6, %dma_start3A, %dma_start3A_7] : memref<16384x50x33xf32, #tpu.memory_space<hbm>> -> memref<8x50x33xf32, #tpu.memory_space<hbm>>
    %dma_start3A_9 = arith.constant 0 : i32
    %dma_start3A_10 = arith.constant 0 : i32
    %dma_start3A_11 = tpu.memref_slice %arg2[%add3A_6, %dma_start3A_9, %dma_start3A_10] : memref<16384x50x33xf32, #tpu.memory_space<hbm>> -> memref<8x50x33xf32, #tpu.memory_space<hbm>>
    tpu.enqueue_dma source(%dma_start3A_11 : memref<8x50x33xf32, #tpu.memory_space<hbm>>) target(%arg5 : memref<8x50x33xf32, #tpu.memory_space<vmem>>) target_semaphore(%arg9 : memref<!tpu.dma_semaphore, #tpu.memory_space<semaphore_mem>>)
    %add3A_12 = arith.constant 8 : i32
    %add3A_13 = arith.addi %mul3A_2, %add3A_12 : i32
    %dma_start3A_14 = arith.constant 0 : i32
    %dma_start3A_15 = arith.constant 0 : i32
    %dma_start3A_16 = tpu.memref_slice %arg2[%add3A_13, %dma_start3A_14, %dma_start3A_15] : memref<16384x50x33xf32, #tpu.memory_space<hbm>> -> memref<8x50x33xf32, #tpu.memory_space<hbm>>
    %dma_start3A_17 = arith.constant 0 : i32
    %dma_start3A_18 = arith.constant 0 : i32
    %dma_start3A_19 = tpu.memref_slice %arg2[%add3A_13, %dma_start3A_17, %dma_start3A_18] : memref<16384x50x33xf32, #tpu.memory_space<hbm>> -> memref<8x50x33xf32, #tpu.memory_space<hbm>>
    tpu.enqueue_dma source(%dma_start3A_19 : memref<8x50x33xf32, #tpu.memory_space<hbm>>) target(%arg6 : memref<8x50x33xf32, #tpu.memory_space<vmem>>) target_semaphore(%arg10 : memref<!tpu.dma_semaphore, #tpu.memory_space<semaphore_mem>>)
    %scan3A = arith.constant 0 : i32
    %scan3A_20 = arith.constant 0 : i32
    %scan3A_21 = arith.constant 32 : i32
    %scan3A_22 = arith.addi %scan3A_20, %scan3A_21 : i32
    %scan3A_23 = arith.constant 1 : i32
    scf.for %scan3A_36 = %scan3A_20 to %scan3A_22 step %scan3A_23  : i32 {
      %mul3A_37 = arith.constant 2 : i32
      %mul3A_38 = arith.muli %mul3A_37, %scan3A_36 : i32
      %dma_wait3A_39 = arith.constant 0 : i32
      %dma_wait3A_40 = arith.constant 0 : i32
      %dma_wait3A_41 = tpu.memref_slice %arg2[%mul3A_2, %dma_wait3A_39, %dma_wait3A_40] : memref<16384x50x33xf32, #tpu.memory_space<hbm>> -> memref<8x50x33xf32, #tpu.memory_space<hbm>>
      %dma_wait3A_42 = arith.constant 0 : i32
      %dma_wait3A_43 = arith.constant 0 : i32
      %dma_wait3A_44 = tpu.memref_slice %arg2[%mul3A_2, %dma_wait3A_42, %dma_wait3A_43] : memref<16384x50x33xf32, #tpu.memory_space<hbm>> -> memref<8x50x33xf32, #tpu.memory_space<hbm>>
      tpu.wait_dma2 semaphore(%arg9 : memref<!tpu.dma_semaphore, #tpu.memory_space<semaphore_mem>>) src(%dma_wait3A_44 : memref<8x50x33xf32, #tpu.memory_space<hbm>>) dst(%arg5 : memref<8x50x33xf32, #tpu.memory_space<vmem>>)
      %scan3A_45 = arith.constant 0 : i32
      %scan3A_46 = arith.constant 0 : i32
      %scan3A_47 = arith.constant 25 : i32
      %scan3A_48 = arith.addi %scan3A_46, %scan3A_47 : i32
      %scan3A_49 = arith.constant 1 : i32
      scf.for %scan3A_96 = %scan3A_46 to %scan3A_48 step %scan3A_49  : i32 {
        %mul3A_97 = arith.constant 16 : i32
        %mul3A_98 = arith.muli %scan3A_96, %mul3A_97 : i32
        %add3A_99 = vector.broadcast %mul3A_98 : i32 to vector<16xi32>
        %add3A_100 = arith.addi %add3A_99, %iota3A : vector<16xi32>
        %mul3A_101 = arith.constant 5243 : i32
        %mul3A_102 = vector.broadcast %mul3A_101 : i32 to vector<16xi32>
        %mul3A_103 = arith.muli %add3A_100, %mul3A_102 : vector<16xi32>
        %shift_right_arithmetic3A = arith.constant 18 : i32
        %shift_right_arithmetic3A_104 = vector.broadcast %shift_right_arithmetic3A : i32 to vector<16xi32>
        %shift_right_arithmetic3A_105 = arith.shrsi %mul3A_103, %shift_right_arithmetic3A_104 : vector<16xi32>
        %mul3A_106 = arith.constant 50 : i32
        %mul3A_107 = vector.broadcast %mul3A_106 : i32 to vector<16xi32>
        %mul3A_108 = arith.muli %shift_right_arithmetic3A_105, %mul3A_107 : vector<16xi32>
        %sub3A = arith.subi %add3A_100, %mul3A_108 : vector<16xi32>
        %broadcast_in_dim3A = arith.constant 0 : i32
        %broadcast_in_dim3A_109 = vector.broadcast %broadcast_in_dim3A : i32 to vector<16xi32>
        %gather3A = tpu.vector_load_idx %arg5[%shift_right_arithmetic3A_105, %sub3A, %broadcast_in_dim3A_109] : memref<8x50x33xf32, #tpu.memory_space<vmem>>[vector<16xi32>, vector<16xi32>, vector<16xi32>], vector<16xf32>,
        %broadcast_in_dim3A_110 = arith.constant 0 : i32
        %broadcast_in_dim3A_111 = vector.broadcast %broadcast_in_dim3A_110 : i32 to vector<16xi32>
        %add3A_112 = arith.constant 1 : i32
        %add3A_113 = vector.broadcast %add3A_112 : i32 to vector<16xi32>
        %add3A_114 = arith.addi %broadcast_in_dim3A_109, %add3A_113 : vector<16xi32>
        %gather3A_115 = tpu.vector_load_idx %arg5[%shift_right_arithmetic3A_105, %sub3A, %add3A_114] : memref<8x50x33xf32, #tpu.memory_space<vmem>>[vector<16xi32>, vector<16xi32>, vector<16xi32>], vector<16xf32>,
        %gt3A = arith.cmpf ogt, %gather3A_115, %gather3A : vector<16xf32>
        %select_n3A = arith.select %gt3A, %gather3A_115, %gather3A : vector<16xi1>, vector<16xf32>
        %jit3A = arith.constant 1 : i32
        %broadcast_in_dim3A_116 = vector.broadcast %jit3A : i32 to vector<16xi32>
        %select_n3A_117 = arith.select %gt3A, %broadcast_in_dim3A_116, %broadcast_in_dim3A_111 : vector<16xi1>, vector<16xi32>
        %add3A_118 = arith.constant 1 : i32
        %add3A_119 = vector.broadcast %add3A_118 : i32 to vector<16xi32>
        %add3A_120 = arith.addi %add3A_114, %add3A_119 : vector<16xi32>
        %gather3A_121 = tpu.vector_load_idx %arg5[%shift_right_arithmetic3A_105, %sub3A, %add3A_120] : memref<8x50x33xf32, #tpu.memory_space<vmem>>[vector<16xi32>, vector<16xi32>, vector<16xi32>], vector<16xf32>,
        %gt3A_122 = arith.cmpf ogt, %gather3A_121, %select_n3A : vector<16xf32>
        %select_n3A_123 = arith.select %gt3A_122, %gather3A_121, %select_n3A : vector<16xi1>, vector<16xf32>
        %jit3A_124 = arith.constant 2 : i32
        %broadcast_in_dim3A_125 = vector.broadcast %jit3A_124 : i32 to vector<16xi32>
        %select_n3A_126 = arith.select %gt3A_122, %broadcast_in_dim3A_125, %select_n3A_117 : vector<16xi1>, vector<16xi32>
        %add3A_127 = arith.constant 1 : i32
        %add3A_128 = vector.broadcast %add3A_127 : i32 to vector<16xi32>
        %add3A_129 = arith.addi %add3A_120, %add3A_128 : vector<16xi32>
        %gather3A_130 = tpu.vector_load_idx %arg5[%shift_right_arithmetic3A_105, %sub3A, %add3A_129] : memref<8x50x33xf32, #tpu.memory_space<vmem>>[vector<16xi32>, vector<16xi32>, vector<16xi32>], vector<16xf32>,
        %gt3A_131 = arith.cmpf ogt, %gather3A_130, %select_n3A_123 : vector<16xf32>
        %select_n3A_132 = arith.select %gt3A_131, %gather3A_130, %select_n3A_123 : vector<16xi1>, vector<16xf32>
        %jit3A_133 = arith.constant 3 : i32
        %broadcast_in_dim3A_134 = vector.broadcast %jit3A_133 : i32 to vector<16xi32>
        %select_n3A_135 = arith.select %gt3A_131, %broadcast_in_dim3A_134, %select_n3A_126 : vector<16xi1>, vector<16xi32>
        %add3A_136 = arith.constant 1 : i32
        %add3A_137 = vector.broadcast %add3A_136 : i32 to vector<16xi32>
        %add3A_138 = arith.addi %add3A_129, %add3A_137 : vector<16xi32>
        %gather3A_139 = tpu.vector_load_idx %arg5[%shift_right_arithmetic3A_105, %sub3A, %add3A_138] : memref<8x50x33xf32, #tpu.memory_space<vmem>>[vector<16xi32>, vector<16xi32>, vector<16xi32>], vector<16xf32>,
        %gt3A_140 = arith.cmpf ogt, %gather3A_139, %select_n3A_132 : vector<16xf32>
        %select_n3A_141 = arith.select %gt3A_140, %gather3A_139, %select_n3A_132 : vector<16xi1>, vector<16xf32>
        %jit3A_142 = arith.constant 4 : i32
        %broadcast_in_dim3A_143 = vector.broadcast %jit3A_142 : i32 to vector<16xi32>
        %select_n3A_144 = arith.select %gt3A_140, %broadcast_in_dim3A_143, %select_n3A_135 : vector<16xi1>, vector<16xi32>
        %add3A_145 = arith.constant 1 : i32
        %add3A_146 = vector.broadcast %add3A_145 : i32 to vector<16xi32>
        %add3A_147 = arith.addi %add3A_138, %add3A_146 : vector<16xi32>
        %gather3A_148 = tpu.vector_load_idx %arg5[%shift_right_arithmetic3A_105, %sub3A, %add3A_147] : memref<8x50x33xf32, #tpu.memory_space<vmem>>[vector<16xi32>, vector<16xi32>, vector<16xi32>], vector<16xf32>,
        %gt3A_149 = arith.cmpf ogt, %gather3A_148, %select_n3A_141 : vector<16xf32>
        %select_n3A_150 = arith.select %gt3A_149, %gather3A_148, %select_n3A_141 : vector<16xi1>, vector<16xf32>
        %jit3A_151 = arith.constant 5 : i32
        %broadcast_in_dim3A_152 = vector.broadcast %jit3A_151 : i32 to vector<16xi32>
        %select_n3A_153 = arith.select %gt3A_149, %broadcast_in_dim3A_152, %select_n3A_144 : vector<16xi1>, vector<16xi32>
        %add3A_154 = arith.constant 1 : i32
        %add3A_155 = vector.broadcast %add3A_154 : i32 to vector<16xi32>
        %add3A_156 = arith.addi %add3A_147, %add3A_155 : vector<16xi32>
        %gather3A_157 = tpu.vector_load_idx %arg5[%shift_right_arithmetic3A_105, %sub3A, %add3A_156] : memref<8x50x33xf32, #tpu.memory_space<vmem>>[vector<16xi32>, vector<16xi32>, vector<16xi32>], vector<16xf32>,
        %gt3A_158 = arith.cmpf ogt, %gather3A_157, %select_n3A_150 : vector<16xf32>
        %select_n3A_159 = arith.select %gt3A_158, %gather3A_157, %select_n3A_150 : vector<16xi1>, vector<16xf32>
        %jit3A_160 = arith.constant 6 : i32
        %broadcast_in_dim3A_161 = vector.broadcast %jit3A_160 : i32 to vector<16xi32>
        %select_n3A_162 = arith.select %gt3A_158, %broadcast_in_dim3A_161, %select_n3A_153 : vector<16xi1>, vector<16xi32>
        %add3A_163 = arith.constant 1 : i32
        %add3A_164 = vector.broadcast %add3A_163 : i32 to vector<16xi32>
        %add3A_165 = arith.addi %add3A_156, %add3A_164 : vector<16xi32>
        %gather3A_166 = tpu.vector_load_idx %arg5[%shift_right_arithmetic3A_105, %sub3A, %add3A_165] : memref<8x50x33xf32, #tpu.memory_space<vmem>>[vector<16xi32>, vector<16xi32>, vector<16xi32>], vector<16xf32>,
        %gt3A_167 = arith.cmpf ogt, %gather3A_166, %select_n3A_159 : vector<16xf32>
        %select_n3A_168 = arith.select %gt3A_167, %gather3A_166, %select_n3A_159 : vector<16xi1>, vector<16xf32>
        %jit3A_169 = arith.constant 7 : i32
        %broadcast_in_dim3A_170 = vector.broadcast %jit3A_169 : i32 to vector<16xi32>
        %select_n3A_171 = arith.select %gt3A_167, %broadcast_in_dim3A_170, %select_n3A_162 : vector<16xi1>, vector<16xi32>
        %add3A_172 = arith.constant 1 : i32
        %add3A_173 = vector.broadcast %add3A_172 : i32 to vector<16xi32>
        %add3A_174 = arith.addi %add3A_165, %add3A_173 : vector<16xi32>
        %gather3A_175 = tpu.vector_load_idx %arg5[%shift_right_arithmetic3A_105, %sub3A, %add3A_174] : memref<8x50x33xf32, #tpu.memory_space<vmem>>[vector<16xi32>, vector<16xi32>, vector<16xi32>], vector<16xf32>,
        %gt3A_176 = arith.cmpf ogt, %gather3A_175, %select_n3A_168 : vector<16xf32>
        %select_n3A_177 = arith.select %gt3A_176, %gather3A_175, %select_n3A_168 : vector<16xi1>, vector<16xf32>
        %jit3A_178 = arith.constant 8 : i32
        %broadcast_in_dim3A_179 = vector.broadcast %jit3A_178 : i32 to vector<16xi32>
        %select_n3A_180 = arith.select %gt3A_176, %broadcast_in_dim3A_179, %select_n3A_171 : vector<16xi1>, vector<16xi32>
        %add3A_181 = arith.constant 1 : i32
        %add3A_182 = vector.broadcast %add3A_181 : i32 to vector<16xi32>
        %add3A_183 = arith.addi %add3A_174, %add3A_182 : vector<16xi32>
        %gather3A_184 = tpu.vector_load_idx %arg5[%shift_right_arithmetic3A_105, %sub3A, %add3A_183] : memref<8x50x33xf32, #tpu.memory_space<vmem>>[vector<16xi32>, vector<16xi32>, vector<16xi32>], vector<16xf32>,
        %gt3A_185 = arith.cmpf ogt, %gather3A_184, %select_n3A_177 : vector<16xf32>
        %select_n3A_186 = arith.select %gt3A_185, %gather3A_184, %select_n3A_177 : vector<16xi1>, vector<16xf32>
        %jit3A_187 = arith.constant 9 : i32
        %broadcast_in_dim3A_188 = vector.broadcast %jit3A_187 : i32 to vector<16xi32>
        %select_n3A_189 = arith.select %gt3A_185, %broadcast_in_dim3A_188, %select_n3A_180 : vector<16xi1>, vector<16xi32>
        %add3A_190 = arith.constant 1 : i32
        %add3A_191 = vector.broadcast %add3A_190 : i32 to vector<16xi32>
        %add3A_192 = arith.addi %add3A_183, %add3A_191 : vector<16xi32>
        %gather3A_193 = tpu.vector_load_idx %arg5[%shift_right_arithmetic3A_105, %sub3A, %add3A_192] : memref<8x50x33xf32, #tpu.memory_space<vmem>>[vector<16xi32>, vector<16xi32>, vector<16xi32>], vector<16xf32>,
        %gt3A_194 = arith.cmpf ogt, %gather3A_193, %select_n3A_186 : vector<16xf32>
        %select_n3A_195 = arith.select %gt3A_194, %gather3A_193, %select_n3A_186 : vector<16xi1>, vector<16xf32>
        %jit3A_196 = arith.constant 10 : i32
        %broadcast_in_dim3A_197 = vector.broadcast %jit3A_196 : i32 to vector<16xi32>
        %select_n3A_198 = arith.select %gt3A_194, %broadcast_in_dim3A_197, %select_n3A_189 : vector<16xi1>, vector<16xi32>
        %add3A_199 = arith.constant 1 : i32
        %add3A_200 = vector.broadcast %add3A_199 : i32 to vector<16xi32>
        %add3A_201 = arith.addi %add3A_192, %add3A_200 : vector<16xi32>
        %gather3A_202 = tpu.vector_load_idx %arg5[%shift_right_arithmetic3A_105, %sub3A, %add3A_201] : memref<8x50x33xf32, #tpu.memory_space<vmem>>[vector<16xi32>, vector<16xi32>, vector<16xi32>], vector<16xf32>,
        %gt3A_203 = arith.cmpf ogt, %gather3A_202, %select_n3A_195 : vector<16xf32>
        %select_n3A_204 = arith.select %gt3A_203, %gather3A_202, %select_n3A_195 : vector<16xi1>, vector<16xf32>
        %jit3A_205 = arith.constant 11 : i32
        %broadcast_in_dim3A_206 = vector.broadcast %jit3A_205 : i32 to vector<16xi32>
        %select_n3A_207 = arith.select %gt3A_203, %broadcast_in_dim3A_206, %select_n3A_198 : vector<16xi1>, vector<16xi32>
        %add3A_208 = arith.constant 1 : i32
        %add3A_209 = vector.broadcast %add3A_208 : i32 to vector<16xi32>
        %add3A_210 = arith.addi %add3A_201, %add3A_209 : vector<16xi32>
        %gather3A_211 = tpu.vector_load_idx %arg5[%shift_right_arithmetic3A_105, %sub3A, %add3A_210] : memref<8x50x33xf32, #tpu.memory_space<vmem>>[vector<16xi32>, vector<16xi32>, vector<16xi32>], vector<16xf32>,
        %gt3A_212 = arith.cmpf ogt, %gather3A_211, %select_n3A_204 : vector<16xf32>
        %select_n3A_213 = arith.select %gt3A_212, %gather3A_211, %select_n3A_204 : vector<16xi1>, vector<16xf32>
        %jit3A_214 = arith.constant 12 : i32
        %broadcast_in_dim3A_215 = vector.broadcast %jit3A_214 : i32 to vector<16xi32>
        %select_n3A_216 = arith.select %gt3A_212, %broadcast_in_dim3A_215, %select_n3A_207 : vector<16xi1>, vector<16xi32>
        %add3A_217 = arith.constant 1 : i32
        %add3A_218 = vector.broadcast %add3A_217 : i32 to vector<16xi32>
        %add3A_219 = arith.addi %add3A_210, %add3A_218 : vector<16xi32>
        %gather3A_220 = tpu.vector_load_idx %arg5[%shift_right_arithmetic3A_105, %sub3A, %add3A_219] : memref<8x50x33xf32, #tpu.memory_space<vmem>>[vector<16xi32>, vector<16xi32>, vector<16xi32>], vector<16xf32>,
        %gt3A_221 = arith.cmpf ogt, %gather3A_220, %select_n3A_213 : vector<16xf32>
        %select_n3A_222 = arith.select %gt3A_221, %gather3A_220, %select_n3A_213 : vector<16xi1>, vector<16xf32>
        %jit3A_223 = arith.constant 13 : i32
        %broadcast_in_dim3A_224 = vector.broadcast %jit3A_223 : i32 to vector<16xi32>
        %select_n3A_225 = arith.select %gt3A_221, %broadcast_in_dim3A_224, %select_n3A_216 : vector<16xi1>, vector<16xi32>
        %add3A_226 = arith.constant 1 : i32
        %add3A_227 = vector.broadcast %add3A_226 : i32 to vector<16xi32>
        %add3A_228 = arith.addi %add3A_219, %add3A_227 : vector<16xi32>
        %gather3A_229 = tpu.vector_load_idx %arg5[%shift_right_arithmetic3A_105, %sub3A, %add3A_228] : memref<8x50x33xf32, #tpu.memory_space<vmem>>[vector<16xi32>, vector<16xi32>, vector<16xi32>], vector<16xf32>,
        %gt3A_230 = arith.cmpf ogt, %gather3A_229, %select_n3A_222 : vector<16xf32>
        %select_n3A_231 = arith.select %gt3A_230, %gather3A_229, %select_n3A_222 : vector<16xi1>, vector<16xf32>
        %jit3A_232 = arith.constant 14 : i32
        %broadcast_in_dim3A_233 = vector.broadcast %jit3A_232 : i32 to vector<16xi32>
        %select_n3A_234 = arith.select %gt3A_230, %broadcast_in_dim3A_233, %select_n3A_225 : vector<16xi1>, vector<16xi32>
        %add3A_235 = arith.constant 1 : i32
        %add3A_236 = vector.broadcast %add3A_235 : i32 to vector<16xi32>
        %add3A_237 = arith.addi %add3A_228, %add3A_236 : vector<16xi32>
        %gather3A_238 = tpu.vector_load_idx %arg5[%shift_right_arithmetic3A_105, %sub3A, %add3A_237] : memref<8x50x33xf32, #tpu.memory_space<vmem>>[vector<16xi32>, vector<16xi32>, vector<16xi32>], vector<16xf32>,
        %gt3A_239 = arith.cmpf ogt, %gather3A_238, %select_n3A_231 : vector<16xf32>
        %select_n3A_240 = arith.select %gt3A_239, %gather3A_238, %select_n3A_231 : vector<16xi1>, vector<16xf32>
        %jit3A_241 = arith.constant 15 : i32
        %broadcast_in_dim3A_242 = vector.broadcast %jit3A_241 : i32 to vector<16xi32>
        %select_n3A_243 = arith.select %gt3A_239, %broadcast_in_dim3A_242, %select_n3A_234 : vector<16xi1>, vector<16xi32>
        %add3A_244 = arith.constant 1 : i32
        %add3A_245 = vector.broadcast %add3A_244 : i32 to vector<16xi32>
        %add3A_246 = arith.addi %add3A_237, %add3A_245 : vector<16xi32>
        %gather3A_247 = tpu.vector_load_idx %arg5[%shift_right_arithmetic3A_105, %sub3A, %add3A_246] : memref<8x50x33xf32, #tpu.memory_space<vmem>>[vector<16xi32>, vector<16xi32>, vector<16xi32>], vector<16xf32>,
        %gt3A_248 = arith.cmpf ogt, %gather3A_247, %select_n3A_240 : vector<16xf32>
        %select_n3A_249 = arith.select %gt3A_248, %gather3A_247, %select_n3A_240 : vector<16xi1>, vector<16xf32>
        %jit3A_250 = arith.constant 16 : i32
        %broadcast_in_dim3A_251 = vector.broadcast %jit3A_250 : i32 to vector<16xi32>
        %select_n3A_252 = arith.select %gt3A_248, %broadcast_in_dim3A_251, %select_n3A_243 : vector<16xi1>, vector<16xi32>
        %add3A_253 = arith.constant 1 : i32
        %add3A_254 = vector.broadcast %add3A_253 : i32 to vector<16xi32>
        %add3A_255 = arith.addi %add3A_246, %add3A_254 : vector<16xi32>
        %gather3A_256 = tpu.vector_load_idx %arg5[%shift_right_arithmetic3A_105, %sub3A, %add3A_255] : memref<8x50x33xf32, #tpu.memory_space<vmem>>[vector<16xi32>, vector<16xi32>, vector<16xi32>], vector<16xf32>,
        %gt3A_257 = arith.cmpf ogt, %gather3A_256, %select_n3A_249 : vector<16xf32>
        %select_n3A_258 = arith.select %gt3A_257, %gather3A_256, %select_n3A_249 : vector<16xi1>, vector<16xf32>
        %jit3A_259 = arith.constant 17 : i32
        %broadcast_in_dim3A_260 = vector.broadcast %jit3A_259 : i32 to vector<16xi32>
        %select_n3A_261 = arith.select %gt3A_257, %broadcast_in_dim3A_260, %select_n3A_252 : vector<16xi1>, vector<16xi32>
        %add3A_262 = arith.constant 1 : i32
        %add3A_263 = vector.broadcast %add3A_262 : i32 to vector<16xi32>
        %add3A_264 = arith.addi %add3A_255, %add3A_263 : vector<16xi32>
        %gather3A_265 = tpu.vector_load_idx %arg5[%shift_right_arithmetic3A_105, %sub3A, %add3A_264] : memref<8x50x33xf32, #tpu.memory_space<vmem>>[vector<16xi32>, vector<16xi32>, vector<16xi32>], vector<16xf32>,
        %gt3A_266 = arith.cmpf ogt, %gather3A_265, %select_n3A_258 : vector<16xf32>
        %select_n3A_267 = arith.select %gt3A_266, %gather3A_265, %select_n3A_258 : vector<16xi1>, vector<16xf32>
        %jit3A_268 = arith.constant 18 : i32
        %broadcast_in_dim3A_269 = vector.broadcast %jit3A_268 : i32 to vector<16xi32>
        %select_n3A_270 = arith.select %gt3A_266, %broadcast_in_dim3A_269, %select_n3A_261 : vector<16xi1>, vector<16xi32>
        %add3A_271 = arith.constant 1 : i32
        %add3A_272 = vector.broadcast %add3A_271 : i32 to vector<16xi32>
        %add3A_273 = arith.addi %add3A_264, %add3A_272 : vector<16xi32>
        %gather3A_274 = tpu.vector_load_idx %arg5[%shift_right_arithmetic3A_105, %sub3A, %add3A_273] : memref<8x50x33xf32, #tpu.memory_space<vmem>>[vector<16xi32>, vector<16xi32>, vector<16xi32>], vector<16xf32>,
        %gt3A_275 = arith.cmpf ogt, %gather3A_274, %select_n3A_267 : vector<16xf32>
        %select_n3A_276 = arith.select %gt3A_275, %gather3A_274, %select_n3A_267 : vector<16xi1>, vector<16xf32>
        %jit3A_277 = arith.constant 19 : i32
        %broadcast_in_dim3A_278 = vector.broadcast %jit3A_277 : i32 to vector<16xi32>
        %select_n3A_279 = arith.select %gt3A_275, %broadcast_in_dim3A_278, %select_n3A_270 : vector<16xi1>, vector<16xi32>
        %add3A_280 = arith.constant 1 : i32
        %add3A_281 = vector.broadcast %add3A_280 : i32 to vector<16xi32>
        %add3A_282 = arith.addi %add3A_273, %add3A_281 : vector<16xi32>
        %gather3A_283 = tpu.vector_load_idx %arg5[%shift_right_arithmetic3A_105, %sub3A, %add3A_282] : memref<8x50x33xf32, #tpu.memory_space<vmem>>[vector<16xi32>, vector<16xi32>, vector<16xi32>], vector<16xf32>,
        %gt3A_284 = arith.cmpf ogt, %gather3A_283, %select_n3A_276 : vector<16xf32>
        %select_n3A_285 = arith.select %gt3A_284, %gather3A_283, %select_n3A_276 : vector<16xi1>, vector<16xf32>
        %jit3A_286 = arith.constant 20 : i32
        %broadcast_in_dim3A_287 = vector.broadcast %jit3A_286 : i32 to vector<16xi32>
        %select_n3A_288 = arith.select %gt3A_284, %broadcast_in_dim3A_287, %select_n3A_279 : vector<16xi1>, vector<16xi32>
        %add3A_289 = arith.constant 1 : i32
        %add3A_290 = vector.broadcast %add3A_289 : i32 to vector<16xi32>
        %add3A_291 = arith.addi %add3A_282, %add3A_290 : vector<16xi32>
        %gather3A_292 = tpu.vector_load_idx %arg5[%shift_right_arithmetic3A_105, %sub3A, %add3A_291] : memref<8x50x33xf32, #tpu.memory_space<vmem>>[vector<16xi32>, vector<16xi32>, vector<16xi32>], vector<16xf32>,
        %gt3A_293 = arith.cmpf ogt, %gather3A_292, %select_n3A_285 : vector<16xf32>
        %select_n3A_294 = arith.select %gt3A_293, %gather3A_292, %select_n3A_285 : vector<16xi1>, vector<16xf32>
        %jit3A_295 = arith.constant 21 : i32
        %broadcast_in_dim3A_296 = vector.broadcast %jit3A_295 : i32 to vector<16xi32>
        %select_n3A_297 = arith.select %gt3A_293, %broadcast_in_dim3A_296, %select_n3A_288 : vector<16xi1>, vector<16xi32>
        %add3A_298 = arith.constant 1 : i32
        %add3A_299 = vector.broadcast %add3A_298 : i32 to vector<16xi32>
        %add3A_300 = arith.addi %add3A_291, %add3A_299 : vector<16xi32>
        %gather3A_301 = tpu.vector_load_idx %arg5[%shift_right_arithmetic3A_105, %sub3A, %add3A_300] : memref<8x50x33xf32, #tpu.memory_space<vmem>>[vector<16xi32>, vector<16xi32>, vector<16xi32>], vector<16xf32>,
        %gt3A_302 = arith.cmpf ogt, %gather3A_301, %select_n3A_294 : vector<16xf32>
        %select_n3A_303 = arith.select %gt3A_302, %gather3A_301, %select_n3A_294 : vector<16xi1>, vector<16xf32>
        %jit3A_304 = arith.constant 22 : i32
        %broadcast_in_dim3A_305 = vector.broadcast %jit3A_304 : i32 to vector<16xi32>
        %select_n3A_306 = arith.select %gt3A_302, %broadcast_in_dim3A_305, %select_n3A_297 : vector<16xi1>, vector<16xi32>
        %add3A_307 = arith.constant 1 : i32
        %add3A_308 = vector.broadcast %add3A_307 : i32 to vector<16xi32>
        %add3A_309 = arith.addi %add3A_300, %add3A_308 : vector<16xi32>
        %gather3A_310 = tpu.vector_load_idx %arg5[%shift_right_arithmetic3A_105, %sub3A, %add3A_309] : memref<8x50x33xf32, #tpu.memory_space<vmem>>[vector<16xi32>, vector<16xi32>, vector<16xi32>], vector<16xf32>,
        %gt3A_311 = arith.cmpf ogt, %gather3A_310, %select_n3A_303 : vector<16xf32>
        %select_n3A_312 = arith.select %gt3A_311, %gather3A_310, %select_n3A_303 : vector<16xi1>, vector<16xf32>
        %jit3A_313 = arith.constant 23 : i32
        %broadcast_in_dim3A_314 = vector.broadcast %jit3A_313 : i32 to vector<16xi32>
        %select_n3A_315 = arith.select %gt3A_311, %broadcast_in_dim3A_314, %select_n3A_306 : vector<16xi1>, vector<16xi32>
        %add3A_316 = arith.constant 1 : i32
        %add3A_317 = vector.broadcast %add3A_316 : i32 to vector<16xi32>
        %add3A_318 = arith.addi %add3A_309, %add3A_317 : vector<16xi32>
        %gather3A_319 = tpu.vector_load_idx %arg5[%shift_right_arithmetic3A_105, %sub3A, %add3A_318] : memref<8x50x33xf32, #tpu.memory_space<vmem>>[vector<16xi32>, vector<16xi32>, vector<16xi32>], vector<16xf32>,
        %gt3A_320 = arith.cmpf ogt, %gather3A_319, %select_n3A_312 : vector<16xf32>
        %select_n3A_321 = arith.select %gt3A_320, %gather3A_319, %select_n3A_312 : vector<16xi1>, vector<16xf32>
        %jit3A_322 = arith.constant 24 : i32
        %broadcast_in_dim3A_323 = vector.broadcast %jit3A_322 : i32 to vector<16xi32>
        %select_n3A_324 = arith.select %gt3A_320, %broadcast_in_dim3A_323, %select_n3A_315 : vector<16xi1>, vector<16xi32>
        %add3A_325 = arith.constant 1 : i32
        %add3A_326 = vector.broadcast %add3A_325 : i32 to vector<16xi32>
        %add3A_327 = arith.addi %add3A_318, %add3A_326 : vector<16xi32>
        %gather3A_328 = tpu.vector_load_idx %arg5[%shift_right_arithmetic3A_105, %sub3A, %add3A_327] : memref<8x50x33xf32, #tpu.memory_space<vmem>>[vector<16xi32>, vector<16xi32>, vector<16xi32>], vector<16xf32>,
        %gt3A_329 = arith.cmpf ogt, %gather3A_328, %select_n3A_321 : vector<16xf32>
        %select_n3A_330 = arith.select %gt3A_329, %gather3A_328, %select_n3A_321 : vector<16xi1>, vector<16xf32>
        %jit3A_331 = arith.constant 25 : i32
        %broadcast_in_dim3A_332 = vector.broadcast %jit3A_331 : i32 to vector<16xi32>
        %select_n3A_333 = arith.select %gt3A_329, %broadcast_in_dim3A_332, %select_n3A_324 : vector<16xi1>, vector<16xi32>
        %add3A_334 = arith.constant 1 : i32
        %add3A_335 = vector.broadcast %add3A_334 : i32 to vector<16xi32>
        %add3A_336 = arith.addi %add3A_327, %add3A_335 : vector<16xi32>
        %gather3A_337 = tpu.vector_load_idx %arg5[%shift_right_arithmetic3A_105, %sub3A, %add3A_336] : memref<8x50x33xf32, #tpu.memory_space<vmem>>[vector<16xi32>, vector<16xi32>, vector<16xi32>], vector<16xf32>,
        %gt3A_338 = arith.cmpf ogt, %gather3A_337, %select_n3A_330 : vector<16xf32>
        %select_n3A_339 = arith.select %gt3A_338, %gather3A_337, %select_n3A_330 : vector<16xi1>, vector<16xf32>
        %jit3A_340 = arith.constant 26 : i32
        %broadcast_in_dim3A_341 = vector.broadcast %jit3A_340 : i32 to vector<16xi32>
        %select_n3A_342 = arith.select %gt3A_338, %broadcast_in_dim3A_341, %select_n3A_333 : vector<16xi1>, vector<16xi32>
        %add3A_343 = arith.constant 1 : i32
        %add3A_344 = vector.broadcast %add3A_343 : i32 to vector<16xi32>
        %add3A_345 = arith.addi %add3A_336, %add3A_344 : vector<16xi32>
        %gather3A_346 = tpu.vector_load_idx %arg5[%shift_right_arithmetic3A_105, %sub3A, %add3A_345] : memref<8x50x33xf32, #tpu.memory_space<vmem>>[vector<16xi32>, vector<16xi32>, vector<16xi32>], vector<16xf32>,
        %gt3A_347 = arith.cmpf ogt, %gather3A_346, %select_n3A_339 : vector<16xf32>
        %select_n3A_348 = arith.select %gt3A_347, %gather3A_346, %select_n3A_339 : vector<16xi1>, vector<16xf32>
        %jit3A_349 = arith.constant 27 : i32
        %broadcast_in_dim3A_350 = vector.broadcast %jit3A_349 : i32 to vector<16xi32>
        %select_n3A_351 = arith.select %gt3A_347, %broadcast_in_dim3A_350, %select_n3A_342 : vector<16xi1>, vector<16xi32>
        %add3A_352 = arith.constant 1 : i32
        %add3A_353 = vector.broadcast %add3A_352 : i32 to vector<16xi32>
        %add3A_354 = arith.addi %add3A_345, %add3A_353 : vector<16xi32>
        %gather3A_355 = tpu.vector_load_idx %arg5[%shift_right_arithmetic3A_105, %sub3A, %add3A_354] : memref<8x50x33xf32, #tpu.memory_space<vmem>>[vector<16xi32>, vector<16xi32>, vector<16xi32>], vector<16xf32>,
        %gt3A_356 = arith.cmpf ogt, %gather3A_355, %select_n3A_348 : vector<16xf32>
        %select_n3A_357 = arith.select %gt3A_356, %gather3A_355, %select_n3A_348 : vector<16xi1>, vector<16xf32>
        %jit3A_358 = arith.constant 28 : i32
        %broadcast_in_dim3A_359 = vector.broadcast %jit3A_358 : i32 to vector<16xi32>
        %select_n3A_360 = arith.select %gt3A_356, %broadcast_in_dim3A_359, %select_n3A_351 : vector<16xi1>, vector<16xi32>
        %add3A_361 = arith.constant 1 : i32
        %add3A_362 = vector.broadcast %add3A_361 : i32 to vector<16xi32>
        %add3A_363 = arith.addi %add3A_354, %add3A_362 : vector<16xi32>
        %gather3A_364 = tpu.vector_load_idx %arg5[%shift_right_arithmetic3A_105, %sub3A, %add3A_363] : memref<8x50x33xf32, #tpu.memory_space<vmem>>[vector<16xi32>, vector<16xi32>, vector<16xi32>], vector<16xf32>,
        %gt3A_365 = arith.cmpf ogt, %gather3A_364, %select_n3A_357 : vector<16xf32>
        %select_n3A_366 = arith.select %gt3A_365, %gather3A_364, %select_n3A_357 : vector<16xi1>, vector<16xf32>
        %jit3A_367 = arith.constant 29 : i32
        %broadcast_in_dim3A_368 = vector.broadcast %jit3A_367 : i32 to vector<16xi32>
        %select_n3A_369 = arith.select %gt3A_365, %broadcast_in_dim3A_368, %select_n3A_360 : vector<16xi1>, vector<16xi32>
        %add3A_370 = arith.constant 1 : i32
        %add3A_371 = vector.broadcast %add3A_370 : i32 to vector<16xi32>
        %add3A_372 = arith.addi %add3A_363, %add3A_371 : vector<16xi32>
        %gather3A_373 = tpu.vector_load_idx %arg5[%shift_right_arithmetic3A_105, %sub3A, %add3A_372] : memref<8x50x33xf32, #tpu.memory_space<vmem>>[vector<16xi32>, vector<16xi32>, vector<16xi32>], vector<16xf32>,
        %gt3A_374 = arith.cmpf ogt, %gather3A_373, %select_n3A_366 : vector<16xf32>
        %select_n3A_375 = arith.select %gt3A_374, %gather3A_373, %select_n3A_366 : vector<16xi1>, vector<16xf32>
        %jit3A_376 = arith.constant 30 : i32
        %broadcast_in_dim3A_377 = vector.broadcast %jit3A_376 : i32 to vector<16xi32>
        %select_n3A_378 = arith.select %gt3A_374, %broadcast_in_dim3A_377, %select_n3A_369 : vector<16xi1>, vector<16xi32>
        %add3A_379 = arith.constant 1 : i32
        %add3A_380 = vector.broadcast %add3A_379 : i32 to vector<16xi32>
        %add3A_381 = arith.addi %add3A_372, %add3A_380 : vector<16xi32>
        %gather3A_382 = tpu.vector_load_idx %arg5[%shift_right_arithmetic3A_105, %sub3A, %add3A_381] : memref<8x50x33xf32, #tpu.memory_space<vmem>>[vector<16xi32>, vector<16xi32>, vector<16xi32>], vector<16xf32>,
        %gt3A_383 = arith.cmpf ogt, %gather3A_382, %select_n3A_375 : vector<16xf32>
        %select_n3A_384 = arith.select %gt3A_383, %gather3A_382, %select_n3A_375 : vector<16xi1>, vector<16xf32>
        %jit3A_385 = arith.constant 31 : i32
        %broadcast_in_dim3A_386 = vector.broadcast %jit3A_385 : i32 to vector<16xi32>
        %select_n3A_387 = arith.select %gt3A_383, %broadcast_in_dim3A_386, %select_n3A_378 : vector<16xi1>, vector<16xi32>
        %add3A_388 = arith.constant 1 : i32
        %add3A_389 = vector.broadcast %add3A_388 : i32 to vector<16xi32>
        %add3A_390 = arith.addi %add3A_381, %add3A_389 : vector<16xi32>
        %gather3A_391 = tpu.vector_load_idx %arg5[%shift_right_arithmetic3A_105, %sub3A, %add3A_390] : memref<8x50x33xf32, #tpu.memory_space<vmem>>[vector<16xi32>, vector<16xi32>, vector<16xi32>], vector<16xf32>,
        %mul3A_392 = arith.constant 8.000000e+00 : f32
        %mul3A_393 = vector.broadcast %mul3A_392 : f32 to vector<16xf32>
        %mul3A_394 = arith.mulf %gather3A_391, %mul3A_393 : vector<16xf32>
        %convert_element_type3A = arith.fptosi %mul3A_394 : vector<16xf32> to vector<16xi32>
        %jit3A_395 = arith.constant 0 : i32
        %jit3A_396 = arith.constant 7 : i32
        %max3A = vector.broadcast %jit3A_395 : i32 to vector<16xi32>
        %max3A_397 = arith.maxsi %max3A, %convert_element_type3A : vector<16xi32>
        %min3A_398 = vector.broadcast %jit3A_396 : i32 to vector<16xi32>
        %min3A_399 = arith.minsi %min3A_398, %max3A_397 : vector<16xi32>
        %mul3A_400 = arith.constant 32 : i32
        %mul3A_401 = vector.broadcast %mul3A_400 : i32 to vector<16xi32>
        %mul3A_402 = arith.muli %min3A_399, %mul3A_401 : vector<16xi32>
        %add3A_403 = arith.addi %mul3A_402, %select_n3A_387 : vector<16xi32>
        %gather3A_404 = tpu.vector_load_idx %arg7[%add3A_403] : memref<256xi32, #tpu.memory_space<vmem>>[vector<16xi32>], vector<16xi32>,
        %mul3A_405 = arith.constant 16 : i32
        %mul3A_406 = arith.muli %scan3A_96, %mul3A_405 : i32
        %swap3A = arith.index_cast %mul3A_406 : i32 to index
        %swap3A_407 = tpu.vector_load %arg8[%swap3A] {strides = array<i32>} : memref<400xi32, #tpu.memory_space<vmem>>, vector<16xi32>,
        tpu.vector_store %arg8[%swap3A], %gather3A_404 {strides = array<i32>} : memref<400xi32, #tpu.memory_space<vmem>>, vector<16xi32>,
      }
      %scan3A_50 = arith.constant 25 : i32
      %mul3A_51 = arith.constant 400 : i32
      %mul3A_52 = arith.muli %mul3A_38, %mul3A_51 : i32
      %add3A_53 = arith.addi %mul3A_4, %mul3A_52 : i32
      "tpu.region"() ({
        %run_scoped3A = tpu.sem_alloc : memref<!tpu.dma_semaphore, #tpu.memory_space<semaphore_mem>>
        %dma_start3A_96 = tpu.memref_slice %arg4[%add3A_53] : memref<819200xi32, #tpu.memory_space<hbm>> -> memref<400xi32, #tpu.memory_space<hbm>>
        %dma_start3A_97 = tpu.memref_slice %arg4[%add3A_53] : memref<819200xi32, #tpu.memory_space<hbm>> -> memref<400xi32, #tpu.memory_space<hbm>>
        tpu.enqueue_dma source(%arg8 : memref<400xi32, #tpu.memory_space<vmem>>) target(%dma_start3A_97 : memref<400xi32, #tpu.memory_space<hbm>>) target_semaphore(%run_scoped3A : memref<!tpu.dma_semaphore, #tpu.memory_space<semaphore_mem>>)
        %dma_wait3A_98 = tpu.memref_slice %arg4[%add3A_53] : memref<819200xi32, #tpu.memory_space<hbm>> -> memref<400xi32, #tpu.memory_space<hbm>>
        %dma_wait3A_99 = tpu.memref_slice %arg4[%add3A_53] : memref<819200xi32, #tpu.memory_space<hbm>> -> memref<400xi32, #tpu.memory_space<hbm>>
        tpu.wait_dma2 semaphore(%run_scoped3A : memref<!tpu.dma_semaphore, #tpu.memory_space<semaphore_mem>>) src(%arg8 : memref<400xi32, #tpu.memory_space<vmem>>) dst(%dma_wait3A_99 : memref<400xi32, #tpu.memory_space<hbm>>)
        tpu.yield
      }) : () -> ()
      %add3A_54 = arith.constant 2 : i32
      %add3A_55 = arith.addi %mul3A_38, %add3A_54 : i32
      %min3A = arith.constant 63 : i32
      %min3A_56 = arith.minsi %add3A_55, %min3A : i32
      %mul3A_57 = arith.constant 8 : i32
      %mul3A_58 = arith.muli %min3A_56, %mul3A_57 : i32
      %add3A_59 = arith.addi %mul3A_2, %mul3A_58 : i32
      %dma_start3A_60 = arith.constant 0 : i32
      %dma_start3A_61 = arith.constant 0 : i32
      %dma_start3A_62 = tpu.memref_slice %arg2[%add3A_59, %dma_start3A_60, %dma_start3A_61] : memref<16384x50x33xf32, #tpu.memory_space<hbm>> -> memref<8x50x33xf32, #tpu.memory_space<hbm>>
      %dma_start3A_63 = arith.constant 0 : i32
      %dma_start3A_64 = arith.constant 0 : i32
      %dma_start3A_65 = tpu.memref_slice %arg2[%add3A_59, %dma_start3A_63, %dma_start3A_64] : memref<16384x50x33xf32, #tpu.memory_space<hbm>> -> memref<8x50x33xf32, #tpu.memory_space<hbm>>
      tpu.enqueue_dma source(%dma_start3A_65 : memref<8x50x33xf32, #tpu.memory_space<hbm>>) target(%arg5 : memref<8x50x33xf32, #tpu.memory_space<vmem>>) target_semaphore(%arg9 : memref<!tpu.dma_semaphore, #tpu.memory_space<semaphore_mem>>)
      %add3A_66 = arith.constant 1 : i32
      %add3A_67 = arith.addi %mul3A_38, %add3A_66 : i32
      %dma_wait3A_68 = arith.constant 0 : i32
      %dma_wait3A_69 = arith.constant 0 : i32
      %dma_wait3A_70 = tpu.memref_slice %arg2[%mul3A_2, %dma_wait3A_68, %dma_wait3A_69] : memref<16384x50x33xf32, #tpu.memory_space<hbm>> -> memref<8x50x33xf32, #tpu.memory_space<hbm>>
      %dma_wait3A_71 = arith.constant 0 : i32
      %dma_wait3A_72 = arith.constant 0 : i32
      %dma_wait3A_73 = tpu.memref_slice %arg2[%mul3A_2, %dma_wait3A_71, %dma_wait3A_72] : memref<16384x50x33xf32, #tpu.memory_space<hbm>> -> memref<8x50x33xf32, #tpu.memory_space<hbm>>
      tpu.wait_dma2 semaphore(%arg10 : memref<!tpu.dma_semaphore, #tpu.memory_space<semaphore_mem>>) src(%dma_wait3A_73 : memref<8x50x33xf32, #tpu.memory_space<hbm>>) dst(%arg6 : memref<8x50x33xf32, #tpu.memory_space<vmem>>)
      %scan3A_74 = arith.constant 0 : i32
      %scan3A_75 = arith.constant 0 : i32
      %scan3A_76 = arith.constant 25 : i32
      %scan3A_77 = arith.addi %scan3A_75, %scan3A_76 : i32
      %scan3A_78 = arith.constant 1 : i32
      scf.for %scan3A_96 = %scan3A_75 to %scan3A_77 step %scan3A_78  : i32 {
        %mul3A_97 = arith.constant 16 : i32
        %mul3A_98 = arith.muli %scan3A_96, %mul3A_97 : i32
        %add3A_99 = vector.broadcast %mul3A_98 : i32 to vector<16xi32>
        %add3A_100 = arith.addi %add3A_99, %iota3A : vector<16xi32>
        %mul3A_101 = arith.constant 5243 : i32
        %mul3A_102 = vector.broadcast %mul3A_101 : i32 to vector<16xi32>
        %mul3A_103 = arith.muli %add3A_100, %mul3A_102 : vector<16xi32>
        %shift_right_arithmetic3A = arith.constant 18 : i32
        %shift_right_arithmetic3A_104 = vector.broadcast %shift_right_arithmetic3A : i32 to vector<16xi32>
        %shift_right_arithmetic3A_105 = arith.shrsi %mul3A_103, %shift_right_arithmetic3A_104 : vector<16xi32>
        %mul3A_106 = arith.constant 50 : i32
        %mul3A_107 = vector.broadcast %mul3A_106 : i32 to vector<16xi32>
        %mul3A_108 = arith.muli %shift_right_arithmetic3A_105, %mul3A_107 : vector<16xi32>
        %sub3A = arith.subi %add3A_100, %mul3A_108 : vector<16xi32>
        %broadcast_in_dim3A = arith.constant 0 : i32
        %broadcast_in_dim3A_109 = vector.broadcast %broadcast_in_dim3A : i32 to vector<16xi32>
        %gather3A = tpu.vector_load_idx %arg6[%shift_right_arithmetic3A_105, %sub3A, %broadcast_in_dim3A_109] : memref<8x50x33xf32, #tpu.memory_space<vmem>>[vector<16xi32>, vector<16xi32>, vector<16xi32>], vector<16xf32>,
        %broadcast_in_dim3A_110 = arith.constant 0 : i32
        %broadcast_in_dim3A_111 = vector.broadcast %broadcast_in_dim3A_110 : i32 to vector<16xi32>
        %add3A_112 = arith.constant 1 : i32
        %add3A_113 = vector.broadcast %add3A_112 : i32 to vector<16xi32>
        %add3A_114 = arith.addi %broadcast_in_dim3A_109, %add3A_113 : vector<16xi32>
        %gather3A_115 = tpu.vector_load_idx %arg6[%shift_right_arithmetic3A_105, %sub3A, %add3A_114] : memref<8x50x33xf32, #tpu.memory_space<vmem>>[vector<16xi32>, vector<16xi32>, vector<16xi32>], vector<16xf32>,
        %gt3A = arith.cmpf ogt, %gather3A_115, %gather3A : vector<16xf32>
        %select_n3A = arith.select %gt3A, %gather3A_115, %gather3A : vector<16xi1>, vector<16xf32>
        %jit3A = arith.constant 1 : i32
        %broadcast_in_dim3A_116 = vector.broadcast %jit3A : i32 to vector<16xi32>
        %select_n3A_117 = arith.select %gt3A, %broadcast_in_dim3A_116, %broadcast_in_dim3A_111 : vector<16xi1>, vector<16xi32>
        %add3A_118 = arith.constant 1 : i32
        %add3A_119 = vector.broadcast %add3A_118 : i32 to vector<16xi32>
        %add3A_120 = arith.addi %add3A_114, %add3A_119 : vector<16xi32>
        %gather3A_121 = tpu.vector_load_idx %arg6[%shift_right_arithmetic3A_105, %sub3A, %add3A_120] : memref<8x50x33xf32, #tpu.memory_space<vmem>>[vector<16xi32>, vector<16xi32>, vector<16xi32>], vector<16xf32>,
        %gt3A_122 = arith.cmpf ogt, %gather3A_121, %select_n3A : vector<16xf32>
        %select_n3A_123 = arith.select %gt3A_122, %gather3A_121, %select_n3A : vector<16xi1>, vector<16xf32>
        %jit3A_124 = arith.constant 2 : i32
        %broadcast_in_dim3A_125 = vector.broadcast %jit3A_124 : i32 to vector<16xi32>
        %select_n3A_126 = arith.select %gt3A_122, %broadcast_in_dim3A_125, %select_n3A_117 : vector<16xi1>, vector<16xi32>
        %add3A_127 = arith.constant 1 : i32
        %add3A_128 = vector.broadcast %add3A_127 : i32 to vector<16xi32>
        %add3A_129 = arith.addi %add3A_120, %add3A_128 : vector<16xi32>
        %gather3A_130 = tpu.vector_load_idx %arg6[%shift_right_arithmetic3A_105, %sub3A, %add3A_129] : memref<8x50x33xf32, #tpu.memory_space<vmem>>[vector<16xi32>, vector<16xi32>, vector<16xi32>], vector<16xf32>,
        %gt3A_131 = arith.cmpf ogt, %gather3A_130, %select_n3A_123 : vector<16xf32>
        %select_n3A_132 = arith.select %gt3A_131, %gather3A_130, %select_n3A_123 : vector<16xi1>, vector<16xf32>
        %jit3A_133 = arith.constant 3 : i32
        %broadcast_in_dim3A_134 = vector.broadcast %jit3A_133 : i32 to vector<16xi32>
        %select_n3A_135 = arith.select %gt3A_131, %broadcast_in_dim3A_134, %select_n3A_126 : vector<16xi1>, vector<16xi32>
        %add3A_136 = arith.constant 1 : i32
        %add3A_137 = vector.broadcast %add3A_136 : i32 to vector<16xi32>
        %add3A_138 = arith.addi %add3A_129, %add3A_137 : vector<16xi32>
        %gather3A_139 = tpu.vector_load_idx %arg6[%shift_right_arithmetic3A_105, %sub3A, %add3A_138] : memref<8x50x33xf32, #tpu.memory_space<vmem>>[vector<16xi32>, vector<16xi32>, vector<16xi32>], vector<16xf32>,
        %gt3A_140 = arith.cmpf ogt, %gather3A_139, %select_n3A_132 : vector<16xf32>
        %select_n3A_141 = arith.select %gt3A_140, %gather3A_139, %select_n3A_132 : vector<16xi1>, vector<16xf32>
        %jit3A_142 = arith.constant 4 : i32
        %broadcast_in_dim3A_143 = vector.broadcast %jit3A_142 : i32 to vector<16xi32>
        %select_n3A_144 = arith.select %gt3A_140, %broadcast_in_dim3A_143, %select_n3A_135 : vector<16xi1>, vector<16xi32>
        %add3A_145 = arith.constant 1 : i32
        %add3A_146 = vector.broadcast %add3A_145 : i32 to vector<16xi32>
        %add3A_147 = arith.addi %add3A_138, %add3A_146 : vector<16xi32>
        %gather3A_148 = tpu.vector_load_idx %arg6[%shift_right_arithmetic3A_105, %sub3A, %add3A_147] : memref<8x50x33xf32, #tpu.memory_space<vmem>>[vector<16xi32>, vector<16xi32>, vector<16xi32>], vector<16xf32>,
        %gt3A_149 = arith.cmpf ogt, %gather3A_148, %select_n3A_141 : vector<16xf32>
        %select_n3A_150 = arith.select %gt3A_149, %gather3A_148, %select_n3A_141 : vector<16xi1>, vector<16xf32>
        %jit3A_151 = arith.constant 5 : i32
        %broadcast_in_dim3A_152 = vector.broadcast %jit3A_151 : i32 to vector<16xi32>
        %select_n3A_153 = arith.select %gt3A_149, %broadcast_in_dim3A_152, %select_n3A_144 : vector<16xi1>, vector<16xi32>
        %add3A_154 = arith.constant 1 : i32
        %add3A_155 = vector.broadcast %add3A_154 : i32 to vector<16xi32>
        %add3A_156 = arith.addi %add3A_147, %add3A_155 : vector<16xi32>
        %gather3A_157 = tpu.vector_load_idx %arg6[%shift_right_arithmetic3A_105, %sub3A, %add3A_156] : memref<8x50x33xf32, #tpu.memory_space<vmem>>[vector<16xi32>, vector<16xi32>, vector<16xi32>], vector<16xf32>,
        %gt3A_158 = arith.cmpf ogt, %gather3A_157, %select_n3A_150 : vector<16xf32>
        %select_n3A_159 = arith.select %gt3A_158, %gather3A_157, %select_n3A_150 : vector<16xi1>, vector<16xf32>
        %jit3A_160 = arith.constant 6 : i32
        %broadcast_in_dim3A_161 = vector.broadcast %jit3A_160 : i32 to vector<16xi32>
        %select_n3A_162 = arith.select %gt3A_158, %broadcast_in_dim3A_161, %select_n3A_153 : vector<16xi1>, vector<16xi32>
        %add3A_163 = arith.constant 1 : i32
        %add3A_164 = vector.broadcast %add3A_163 : i32 to vector<16xi32>
        %add3A_165 = arith.addi %add3A_156, %add3A_164 : vector<16xi32>
        %gather3A_166 = tpu.vector_load_idx %arg6[%shift_right_arithmetic3A_105, %sub3A, %add3A_165] : memref<8x50x33xf32, #tpu.memory_space<vmem>>[vector<16xi32>, vector<16xi32>, vector<16xi32>], vector<16xf32>,
        %gt3A_167 = arith.cmpf ogt, %gather3A_166, %select_n3A_159 : vector<16xf32>
        %select_n3A_168 = arith.select %gt3A_167, %gather3A_166, %select_n3A_159 : vector<16xi1>, vector<16xf32>
        %jit3A_169 = arith.constant 7 : i32
        %broadcast_in_dim3A_170 = vector.broadcast %jit3A_169 : i32 to vector<16xi32>
        %select_n3A_171 = arith.select %gt3A_167, %broadcast_in_dim3A_170, %select_n3A_162 : vector<16xi1>, vector<16xi32>
        %add3A_172 = arith.constant 1 : i32
        %add3A_173 = vector.broadcast %add3A_172 : i32 to vector<16xi32>
        %add3A_174 = arith.addi %add3A_165, %add3A_173 : vector<16xi32>
        %gather3A_175 = tpu.vector_load_idx %arg6[%shift_right_arithmetic3A_105, %sub3A, %add3A_174] : memref<8x50x33xf32, #tpu.memory_space<vmem>>[vector<16xi32>, vector<16xi32>, vector<16xi32>], vector<16xf32>,
        %gt3A_176 = arith.cmpf ogt, %gather3A_175, %select_n3A_168 : vector<16xf32>
        %select_n3A_177 = arith.select %gt3A_176, %gather3A_175, %select_n3A_168 : vector<16xi1>, vector<16xf32>
        %jit3A_178 = arith.constant 8 : i32
        %broadcast_in_dim3A_179 = vector.broadcast %jit3A_178 : i32 to vector<16xi32>
        %select_n3A_180 = arith.select %gt3A_176, %broadcast_in_dim3A_179, %select_n3A_171 : vector<16xi1>, vector<16xi32>
        %add3A_181 = arith.constant 1 : i32
        %add3A_182 = vector.broadcast %add3A_181 : i32 to vector<16xi32>
        %add3A_183 = arith.addi %add3A_174, %add3A_182 : vector<16xi32>
        %gather3A_184 = tpu.vector_load_idx %arg6[%shift_right_arithmetic3A_105, %sub3A, %add3A_183] : memref<8x50x33xf32, #tpu.memory_space<vmem>>[vector<16xi32>, vector<16xi32>, vector<16xi32>], vector<16xf32>,
        %gt3A_185 = arith.cmpf ogt, %gather3A_184, %select_n3A_177 : vector<16xf32>
        %select_n3A_186 = arith.select %gt3A_185, %gather3A_184, %select_n3A_177 : vector<16xi1>, vector<16xf32>
        %jit3A_187 = arith.constant 9 : i32
        %broadcast_in_dim3A_188 = vector.broadcast %jit3A_187 : i32 to vector<16xi32>
        %select_n3A_189 = arith.select %gt3A_185, %broadcast_in_dim3A_188, %select_n3A_180 : vector<16xi1>, vector<16xi32>
        %add3A_190 = arith.constant 1 : i32
        %add3A_191 = vector.broadcast %add3A_190 : i32 to vector<16xi32>
        %add3A_192 = arith.addi %add3A_183, %add3A_191 : vector<16xi32>
        %gather3A_193 = tpu.vector_load_idx %arg6[%shift_right_arithmetic3A_105, %sub3A, %add3A_192] : memref<8x50x33xf32, #tpu.memory_space<vmem>>[vector<16xi32>, vector<16xi32>, vector<16xi32>], vector<16xf32>,
        %gt3A_194 = arith.cmpf ogt, %gather3A_193, %select_n3A_186 : vector<16xf32>
        %select_n3A_195 = arith.select %gt3A_194, %gather3A_193, %select_n3A_186 : vector<16xi1>, vector<16xf32>
        %jit3A_196 = arith.constant 10 : i32
        %broadcast_in_dim3A_197 = vector.broadcast %jit3A_196 : i32 to vector<16xi32>
        %select_n3A_198 = arith.select %gt3A_194, %broadcast_in_dim3A_197, %select_n3A_189 : vector<16xi1>, vector<16xi32>
        %add3A_199 = arith.constant 1 : i32
        %add3A_200 = vector.broadcast %add3A_199 : i32 to vector<16xi32>
        %add3A_201 = arith.addi %add3A_192, %add3A_200 : vector<16xi32>
        %gather3A_202 = tpu.vector_load_idx %arg6[%shift_right_arithmetic3A_105, %sub3A, %add3A_201] : memref<8x50x33xf32, #tpu.memory_space<vmem>>[vector<16xi32>, vector<16xi32>, vector<16xi32>], vector<16xf32>,
        %gt3A_203 = arith.cmpf ogt, %gather3A_202, %select_n3A_195 : vector<16xf32>
        %select_n3A_204 = arith.select %gt3A_203, %gather3A_202, %select_n3A_195 : vector<16xi1>, vector<16xf32>
        %jit3A_205 = arith.constant 11 : i32
        %broadcast_in_dim3A_206 = vector.broadcast %jit3A_205 : i32 to vector<16xi32>
        %select_n3A_207 = arith.select %gt3A_203, %broadcast_in_dim3A_206, %select_n3A_198 : vector<16xi1>, vector<16xi32>
        %add3A_208 = arith.constant 1 : i32
        %add3A_209 = vector.broadcast %add3A_208 : i32 to vector<16xi32>
        %add3A_210 = arith.addi %add3A_201, %add3A_209 : vector<16xi32>
        %gather3A_211 = tpu.vector_load_idx %arg6[%shift_right_arithmetic3A_105, %sub3A, %add3A_210] : memref<8x50x33xf32, #tpu.memory_space<vmem>>[vector<16xi32>, vector<16xi32>, vector<16xi32>], vector<16xf32>,
        %gt3A_212 = arith.cmpf ogt, %gather3A_211, %select_n3A_204 : vector<16xf32>
        %select_n3A_213 = arith.select %gt3A_212, %gather3A_211, %select_n3A_204 : vector<16xi1>, vector<16xf32>
        %jit3A_214 = arith.constant 12 : i32
        %broadcast_in_dim3A_215 = vector.broadcast %jit3A_214 : i32 to vector<16xi32>
        %select_n3A_216 = arith.select %gt3A_212, %broadcast_in_dim3A_215, %select_n3A_207 : vector<16xi1>, vector<16xi32>
        %add3A_217 = arith.constant 1 : i32
        %add3A_218 = vector.broadcast %add3A_217 : i32 to vector<16xi32>
        %add3A_219 = arith.addi %add3A_210, %add3A_218 : vector<16xi32>
        %gather3A_220 = tpu.vector_load_idx %arg6[%shift_right_arithmetic3A_105, %sub3A, %add3A_219] : memref<8x50x33xf32, #tpu.memory_space<vmem>>[vector<16xi32>, vector<16xi32>, vector<16xi32>], vector<16xf32>,
        %gt3A_221 = arith.cmpf ogt, %gather3A_220, %select_n3A_213 : vector<16xf32>
        %select_n3A_222 = arith.select %gt3A_221, %gather3A_220, %select_n3A_213 : vector<16xi1>, vector<16xf32>
        %jit3A_223 = arith.constant 13 : i32
        %broadcast_in_dim3A_224 = vector.broadcast %jit3A_223 : i32 to vector<16xi32>
        %select_n3A_225 = arith.select %gt3A_221, %broadcast_in_dim3A_224, %select_n3A_216 : vector<16xi1>, vector<16xi32>
        %add3A_226 = arith.constant 1 : i32
        %add3A_227 = vector.broadcast %add3A_226 : i32 to vector<16xi32>
        %add3A_228 = arith.addi %add3A_219, %add3A_227 : vector<16xi32>
        %gather3A_229 = tpu.vector_load_idx %arg6[%shift_right_arithmetic3A_105, %sub3A, %add3A_228] : memref<8x50x33xf32, #tpu.memory_space<vmem>>[vector<16xi32>, vector<16xi32>, vector<16xi32>], vector<16xf32>,
        %gt3A_230 = arith.cmpf ogt, %gather3A_229, %select_n3A_222 : vector<16xf32>
        %select_n3A_231 = arith.select %gt3A_230, %gather3A_229, %select_n3A_222 : vector<16xi1>, vector<16xf32>
        %jit3A_232 = arith.constant 14 : i32
        %broadcast_in_dim3A_233 = vector.broadcast %jit3A_232 : i32 to vector<16xi32>
        %select_n3A_234 = arith.select %gt3A_230, %broadcast_in_dim3A_233, %select_n3A_225 : vector<16xi1>, vector<16xi32>
        %add3A_235 = arith.constant 1 : i32
        %add3A_236 = vector.broadcast %add3A_235 : i32 to vector<16xi32>
        %add3A_237 = arith.addi %add3A_228, %add3A_236 : vector<16xi32>
        %gather3A_238 = tpu.vector_load_idx %arg6[%shift_right_arithmetic3A_105, %sub3A, %add3A_237] : memref<8x50x33xf32, #tpu.memory_space<vmem>>[vector<16xi32>, vector<16xi32>, vector<16xi32>], vector<16xf32>,
        %gt3A_239 = arith.cmpf ogt, %gather3A_238, %select_n3A_231 : vector<16xf32>
        %select_n3A_240 = arith.select %gt3A_239, %gather3A_238, %select_n3A_231 : vector<16xi1>, vector<16xf32>
        %jit3A_241 = arith.constant 15 : i32
        %broadcast_in_dim3A_242 = vector.broadcast %jit3A_241 : i32 to vector<16xi32>
        %select_n3A_243 = arith.select %gt3A_239, %broadcast_in_dim3A_242, %select_n3A_234 : vector<16xi1>, vector<16xi32>
        %add3A_244 = arith.constant 1 : i32
        %add3A_245 = vector.broadcast %add3A_244 : i32 to vector<16xi32>
        %add3A_246 = arith.addi %add3A_237, %add3A_245 : vector<16xi32>
        %gather3A_247 = tpu.vector_load_idx %arg6[%shift_right_arithmetic3A_105, %sub3A, %add3A_246] : memref<8x50x33xf32, #tpu.memory_space<vmem>>[vector<16xi32>, vector<16xi32>, vector<16xi32>], vector<16xf32>,
        %gt3A_248 = arith.cmpf ogt, %gather3A_247, %select_n3A_240 : vector<16xf32>
        %select_n3A_249 = arith.select %gt3A_248, %gather3A_247, %select_n3A_240 : vector<16xi1>, vector<16xf32>
        %jit3A_250 = arith.constant 16 : i32
        %broadcast_in_dim3A_251 = vector.broadcast %jit3A_250 : i32 to vector<16xi32>
        %select_n3A_252 = arith.select %gt3A_248, %broadcast_in_dim3A_251, %select_n3A_243 : vector<16xi1>, vector<16xi32>
        %add3A_253 = arith.constant 1 : i32
        %add3A_254 = vector.broadcast %add3A_253 : i32 to vector<16xi32>
        %add3A_255 = arith.addi %add3A_246, %add3A_254 : vector<16xi32>
        %gather3A_256 = tpu.vector_load_idx %arg6[%shift_right_arithmetic3A_105, %sub3A, %add3A_255] : memref<8x50x33xf32, #tpu.memory_space<vmem>>[vector<16xi32>, vector<16xi32>, vector<16xi32>], vector<16xf32>,
        %gt3A_257 = arith.cmpf ogt, %gather3A_256, %select_n3A_249 : vector<16xf32>
        %select_n3A_258 = arith.select %gt3A_257, %gather3A_256, %select_n3A_249 : vector<16xi1>, vector<16xf32>
        %jit3A_259 = arith.constant 17 : i32
        %broadcast_in_dim3A_260 = vector.broadcast %jit3A_259 : i32 to vector<16xi32>
        %select_n3A_261 = arith.select %gt3A_257, %broadcast_in_dim3A_260, %select_n3A_252 : vector<16xi1>, vector<16xi32>
        %add3A_262 = arith.constant 1 : i32
        %add3A_263 = vector.broadcast %add3A_262 : i32 to vector<16xi32>
        %add3A_264 = arith.addi %add3A_255, %add3A_263 : vector<16xi32>
        %gather3A_265 = tpu.vector_load_idx %arg6[%shift_right_arithmetic3A_105, %sub3A, %add3A_264] : memref<8x50x33xf32, #tpu.memory_space<vmem>>[vector<16xi32>, vector<16xi32>, vector<16xi32>], vector<16xf32>,
        %gt3A_266 = arith.cmpf ogt, %gather3A_265, %select_n3A_258 : vector<16xf32>
        %select_n3A_267 = arith.select %gt3A_266, %gather3A_265, %select_n3A_258 : vector<16xi1>, vector<16xf32>
        %jit3A_268 = arith.constant 18 : i32
        %broadcast_in_dim3A_269 = vector.broadcast %jit3A_268 : i32 to vector<16xi32>
        %select_n3A_270 = arith.select %gt3A_266, %broadcast_in_dim3A_269, %select_n3A_261 : vector<16xi1>, vector<16xi32>
        %add3A_271 = arith.constant 1 : i32
        %add3A_272 = vector.broadcast %add3A_271 : i32 to vector<16xi32>
        %add3A_273 = arith.addi %add3A_264, %add3A_272 : vector<16xi32>
        %gather3A_274 = tpu.vector_load_idx %arg6[%shift_right_arithmetic3A_105, %sub3A, %add3A_273] : memref<8x50x33xf32, #tpu.memory_space<vmem>>[vector<16xi32>, vector<16xi32>, vector<16xi32>], vector<16xf32>,
        %gt3A_275 = arith.cmpf ogt, %gather3A_274, %select_n3A_267 : vector<16xf32>
        %select_n3A_276 = arith.select %gt3A_275, %gather3A_274, %select_n3A_267 : vector<16xi1>, vector<16xf32>
        %jit3A_277 = arith.constant 19 : i32
        %broadcast_in_dim3A_278 = vector.broadcast %jit3A_277 : i32 to vector<16xi32>
        %select_n3A_279 = arith.select %gt3A_275, %broadcast_in_dim3A_278, %select_n3A_270 : vector<16xi1>, vector<16xi32>
        %add3A_280 = arith.constant 1 : i32
        %add3A_281 = vector.broadcast %add3A_280 : i32 to vector<16xi32>
        %add3A_282 = arith.addi %add3A_273, %add3A_281 : vector<16xi32>
        %gather3A_283 = tpu.vector_load_idx %arg6[%shift_right_arithmetic3A_105, %sub3A, %add3A_282] : memref<8x50x33xf32, #tpu.memory_space<vmem>>[vector<16xi32>, vector<16xi32>, vector<16xi32>], vector<16xf32>,
        %gt3A_284 = arith.cmpf ogt, %gather3A_283, %select_n3A_276 : vector<16xf32>
        %select_n3A_285 = arith.select %gt3A_284, %gather3A_283, %select_n3A_276 : vector<16xi1>, vector<16xf32>
        %jit3A_286 = arith.constant 20 : i32
        %broadcast_in_dim3A_287 = vector.broadcast %jit3A_286 : i32 to vector<16xi32>
        %select_n3A_288 = arith.select %gt3A_284, %broadcast_in_dim3A_287, %select_n3A_279 : vector<16xi1>, vector<16xi32>
        %add3A_289 = arith.constant 1 : i32
        %add3A_290 = vector.broadcast %add3A_289 : i32 to vector<16xi32>
        %add3A_291 = arith.addi %add3A_282, %add3A_290 : vector<16xi32>
        %gather3A_292 = tpu.vector_load_idx %arg6[%shift_right_arithmetic3A_105, %sub3A, %add3A_291] : memref<8x50x33xf32, #tpu.memory_space<vmem>>[vector<16xi32>, vector<16xi32>, vector<16xi32>], vector<16xf32>,
        %gt3A_293 = arith.cmpf ogt, %gather3A_292, %select_n3A_285 : vector<16xf32>
        %select_n3A_294 = arith.select %gt3A_293, %gather3A_292, %select_n3A_285 : vector<16xi1>, vector<16xf32>
        %jit3A_295 = arith.constant 21 : i32
        %broadcast_in_dim3A_296 = vector.broadcast %jit3A_295 : i32 to vector<16xi32>
        %select_n3A_297 = arith.select %gt3A_293, %broadcast_in_dim3A_296, %select_n3A_288 : vector<16xi1>, vector<16xi32>
        %add3A_298 = arith.constant 1 : i32
        %add3A_299 = vector.broadcast %add3A_298 : i32 to vector<16xi32>
        %add3A_300 = arith.addi %add3A_291, %add3A_299 : vector<16xi32>
        %gather3A_301 = tpu.vector_load_idx %arg6[%shift_right_arithmetic3A_105, %sub3A, %add3A_300] : memref<8x50x33xf32, #tpu.memory_space<vmem>>[vector<16xi32>, vector<16xi32>, vector<16xi32>], vector<16xf32>,
        %gt3A_302 = arith.cmpf ogt, %gather3A_301, %select_n3A_294 : vector<16xf32>
        %select_n3A_303 = arith.select %gt3A_302, %gather3A_301, %select_n3A_294 : vector<16xi1>, vector<16xf32>
        %jit3A_304 = arith.constant 22 : i32
        %broadcast_in_dim3A_305 = vector.broadcast %jit3A_304 : i32 to vector<16xi32>
        %select_n3A_306 = arith.select %gt3A_302, %broadcast_in_dim3A_305, %select_n3A_297 : vector<16xi1>, vector<16xi32>
        %add3A_307 = arith.constant 1 : i32
        %add3A_308 = vector.broadcast %add3A_307 : i32 to vector<16xi32>
        %add3A_309 = arith.addi %add3A_300, %add3A_308 : vector<16xi32>
        %gather3A_310 = tpu.vector_load_idx %arg6[%shift_right_arithmetic3A_105, %sub3A, %add3A_309] : memref<8x50x33xf32, #tpu.memory_space<vmem>>[vector<16xi32>, vector<16xi32>, vector<16xi32>], vector<16xf32>,
        %gt3A_311 = arith.cmpf ogt, %gather3A_310, %select_n3A_303 : vector<16xf32>
        %select_n3A_312 = arith.select %gt3A_311, %gather3A_310, %select_n3A_303 : vector<16xi1>, vector<16xf32>
        %jit3A_313 = arith.constant 23 : i32
        %broadcast_in_dim3A_314 = vector.broadcast %jit3A_313 : i32 to vector<16xi32>
        %select_n3A_315 = arith.select %gt3A_311, %broadcast_in_dim3A_314, %select_n3A_306 : vector<16xi1>, vector<16xi32>
        %add3A_316 = arith.constant 1 : i32
        %add3A_317 = vector.broadcast %add3A_316 : i32 to vector<16xi32>
        %add3A_318 = arith.addi %add3A_309, %add3A_317 : vector<16xi32>
        %gather3A_319 = tpu.vector_load_idx %arg6[%shift_right_arithmetic3A_105, %sub3A, %add3A_318] : memref<8x50x33xf32, #tpu.memory_space<vmem>>[vector<16xi32>, vector<16xi32>, vector<16xi32>], vector<16xf32>,
        %gt3A_320 = arith.cmpf ogt, %gather3A_319, %select_n3A_312 : vector<16xf32>
        %select_n3A_321 = arith.select %gt3A_320, %gather3A_319, %select_n3A_312 : vector<16xi1>, vector<16xf32>
        %jit3A_322 = arith.constant 24 : i32
        %broadcast_in_dim3A_323 = vector.broadcast %jit3A_322 : i32 to vector<16xi32>
        %select_n3A_324 = arith.select %gt3A_320, %broadcast_in_dim3A_323, %select_n3A_315 : vector<16xi1>, vector<16xi32>
        %add3A_325 = arith.constant 1 : i32
        %add3A_326 = vector.broadcast %add3A_325 : i32 to vector<16xi32>
        %add3A_327 = arith.addi %add3A_318, %add3A_326 : vector<16xi32>
        %gather3A_328 = tpu.vector_load_idx %arg6[%shift_right_arithmetic3A_105, %sub3A, %add3A_327] : memref<8x50x33xf32, #tpu.memory_space<vmem>>[vector<16xi32>, vector<16xi32>, vector<16xi32>], vector<16xf32>,
        %gt3A_329 = arith.cmpf ogt, %gather3A_328, %select_n3A_321 : vector<16xf32>
        %select_n3A_330 = arith.select %gt3A_329, %gather3A_328, %select_n3A_321 : vector<16xi1>, vector<16xf32>
        %jit3A_331 = arith.constant 25 : i32
        %broadcast_in_dim3A_332 = vector.broadcast %jit3A_331 : i32 to vector<16xi32>
        %select_n3A_333 = arith.select %gt3A_329, %broadcast_in_dim3A_332, %select_n3A_324 : vector<16xi1>, vector<16xi32>
        %add3A_334 = arith.constant 1 : i32
        %add3A_335 = vector.broadcast %add3A_334 : i32 to vector<16xi32>
        %add3A_336 = arith.addi %add3A_327, %add3A_335 : vector<16xi32>
        %gather3A_337 = tpu.vector_load_idx %arg6[%shift_right_arithmetic3A_105, %sub3A, %add3A_336] : memref<8x50x33xf32, #tpu.memory_space<vmem>>[vector<16xi32>, vector<16xi32>, vector<16xi32>], vector<16xf32>,
        %gt3A_338 = arith.cmpf ogt, %gather3A_337, %select_n3A_330 : vector<16xf32>
        %select_n3A_339 = arith.select %gt3A_338, %gather3A_337, %select_n3A_330 : vector<16xi1>, vector<16xf32>
        %jit3A_340 = arith.constant 26 : i32
        %broadcast_in_dim3A_341 = vector.broadcast %jit3A_340 : i32 to vector<16xi32>
        %select_n3A_342 = arith.select %gt3A_338, %broadcast_in_dim3A_341, %select_n3A_333 : vector<16xi1>, vector<16xi32>
        %add3A_343 = arith.constant 1 : i32
        %add3A_344 = vector.broadcast %add3A_343 : i32 to vector<16xi32>
        %add3A_345 = arith.addi %add3A_336, %add3A_344 : vector<16xi32>
        %gather3A_346 = tpu.vector_load_idx %arg6[%shift_right_arithmetic3A_105, %sub3A, %add3A_345] : memref<8x50x33xf32, #tpu.memory_space<vmem>>[vector<16xi32>, vector<16xi32>, vector<16xi32>], vector<16xf32>,
        %gt3A_347 = arith.cmpf ogt, %gather3A_346, %select_n3A_339 : vector<16xf32>
        %select_n3A_348 = arith.select %gt3A_347, %gather3A_346, %select_n3A_339 : vector<16xi1>, vector<16xf32>
        %jit3A_349 = arith.constant 27 : i32
        %broadcast_in_dim3A_350 = vector.broadcast %jit3A_349 : i32 to vector<16xi32>
        %select_n3A_351 = arith.select %gt3A_347, %broadcast_in_dim3A_350, %select_n3A_342 : vector<16xi1>, vector<16xi32>
        %add3A_352 = arith.constant 1 : i32
        %add3A_353 = vector.broadcast %add3A_352 : i32 to vector<16xi32>
        %add3A_354 = arith.addi %add3A_345, %add3A_353 : vector<16xi32>
        %gather3A_355 = tpu.vector_load_idx %arg6[%shift_right_arithmetic3A_105, %sub3A, %add3A_354] : memref<8x50x33xf32, #tpu.memory_space<vmem>>[vector<16xi32>, vector<16xi32>, vector<16xi32>], vector<16xf32>,
        %gt3A_356 = arith.cmpf ogt, %gather3A_355, %select_n3A_348 : vector<16xf32>
        %select_n3A_357 = arith.select %gt3A_356, %gather3A_355, %select_n3A_348 : vector<16xi1>, vector<16xf32>
        %jit3A_358 = arith.constant 28 : i32
        %broadcast_in_dim3A_359 = vector.broadcast %jit3A_358 : i32 to vector<16xi32>
        %select_n3A_360 = arith.select %gt3A_356, %broadcast_in_dim3A_359, %select_n3A_351 : vector<16xi1>, vector<16xi32>
        %add3A_361 = arith.constant 1 : i32
        %add3A_362 = vector.broadcast %add3A_361 : i32 to vector<16xi32>
        %add3A_363 = arith.addi %add3A_354, %add3A_362 : vector<16xi32>
        %gather3A_364 = tpu.vector_load_idx %arg6[%shift_right_arithmetic3A_105, %sub3A, %add3A_363] : memref<8x50x33xf32, #tpu.memory_space<vmem>>[vector<16xi32>, vector<16xi32>, vector<16xi32>], vector<16xf32>,
        %gt3A_365 = arith.cmpf ogt, %gather3A_364, %select_n3A_357 : vector<16xf32>
        %select_n3A_366 = arith.select %gt3A_365, %gather3A_364, %select_n3A_357 : vector<16xi1>, vector<16xf32>
        %jit3A_367 = arith.constant 29 : i32
        %broadcast_in_dim3A_368 = vector.broadcast %jit3A_367 : i32 to vector<16xi32>
        %select_n3A_369 = arith.select %gt3A_365, %broadcast_in_dim3A_368, %select_n3A_360 : vector<16xi1>, vector<16xi32>
        %add3A_370 = arith.constant 1 : i32
        %add3A_371 = vector.broadcast %add3A_370 : i32 to vector<16xi32>
        %add3A_372 = arith.addi %add3A_363, %add3A_371 : vector<16xi32>
        %gather3A_373 = tpu.vector_load_idx %arg6[%shift_right_arithmetic3A_105, %sub3A, %add3A_372] : memref<8x50x33xf32, #tpu.memory_space<vmem>>[vector<16xi32>, vector<16xi32>, vector<16xi32>], vector<16xf32>,
        %gt3A_374 = arith.cmpf ogt, %gather3A_373, %select_n3A_366 : vector<16xf32>
        %select_n3A_375 = arith.select %gt3A_374, %gather3A_373, %select_n3A_366 : vector<16xi1>, vector<16xf32>
        %jit3A_376 = arith.constant 30 : i32
        %broadcast_in_dim3A_377 = vector.broadcast %jit3A_376 : i32 to vector<16xi32>
        %select_n3A_378 = arith.select %gt3A_374, %broadcast_in_dim3A_377, %select_n3A_369 : vector<16xi1>, vector<16xi32>
        %add3A_379 = arith.constant 1 : i32
        %add3A_380 = vector.broadcast %add3A_379 : i32 to vector<16xi32>
        %add3A_381 = arith.addi %add3A_372, %add3A_380 : vector<16xi32>
        %gather3A_382 = tpu.vector_load_idx %arg6[%shift_right_arithmetic3A_105, %sub3A, %add3A_381] : memref<8x50x33xf32, #tpu.memory_space<vmem>>[vector<16xi32>, vector<16xi32>, vector<16xi32>], vector<16xf32>,
        %gt3A_383 = arith.cmpf ogt, %gather3A_382, %select_n3A_375 : vector<16xf32>
        %select_n3A_384 = arith.select %gt3A_383, %gather3A_382, %select_n3A_375 : vector<16xi1>, vector<16xf32>
        %jit3A_385 = arith.constant 31 : i32
        %broadcast_in_dim3A_386 = vector.broadcast %jit3A_385 : i32 to vector<16xi32>
        %select_n3A_387 = arith.select %gt3A_383, %broadcast_in_dim3A_386, %select_n3A_378 : vector<16xi1>, vector<16xi32>
        %add3A_388 = arith.constant 1 : i32
        %add3A_389 = vector.broadcast %add3A_388 : i32 to vector<16xi32>
        %add3A_390 = arith.addi %add3A_381, %add3A_389 : vector<16xi32>
        %gather3A_391 = tpu.vector_load_idx %arg6[%shift_right_arithmetic3A_105, %sub3A, %add3A_390] : memref<8x50x33xf32, #tpu.memory_space<vmem>>[vector<16xi32>, vector<16xi32>, vector<16xi32>], vector<16xf32>,
        %mul3A_392 = arith.constant 8.000000e+00 : f32
        %mul3A_393 = vector.broadcast %mul3A_392 : f32 to vector<16xf32>
        %mul3A_394 = arith.mulf %gather3A_391, %mul3A_393 : vector<16xf32>
        %convert_element_type3A = arith.fptosi %mul3A_394 : vector<16xf32> to vector<16xi32>
        %jit3A_395 = arith.constant 0 : i32
        %jit3A_396 = arith.constant 7 : i32
        %max3A = vector.broadcast %jit3A_395 : i32 to vector<16xi32>
        %max3A_397 = arith.maxsi %max3A, %convert_element_type3A : vector<16xi32>
        %min3A_398 = vector.broadcast %jit3A_396 : i32 to vector<16xi32>
        %min3A_399 = arith.minsi %min3A_398, %max3A_397 : vector<16xi32>
        %mul3A_400 = arith.constant 32 : i32
        %mul3A_401 = vector.broadcast %mul3A_400 : i32 to vector<16xi32>
        %mul3A_402 = arith.muli %min3A_399, %mul3A_401 : vector<16xi32>
        %add3A_403 = arith.addi %mul3A_402, %select_n3A_387 : vector<16xi32>
        %gather3A_404 = tpu.vector_load_idx %arg7[%add3A_403] : memref<256xi32, #tpu.memory_space<vmem>>[vector<16xi32>], vector<16xi32>,
        %mul3A_405 = arith.constant 16 : i32
        %mul3A_406 = arith.muli %scan3A_96, %mul3A_405 : i32
        %swap3A = arith.index_cast %mul3A_406 : i32 to index
        %swap3A_407 = tpu.vector_load %arg8[%swap3A] {strides = array<i32>} : memref<400xi32, #tpu.memory_space<vmem>>, vector<16xi32>,
        tpu.vector_store %arg8[%swap3A], %gather3A_404 {strides = array<i32>} : memref<400xi32, #tpu.memory_space<vmem>>, vector<16xi32>,
      }
      %scan3A_79 = arith.constant 25 : i32
      %mul3A_80 = arith.constant 400 : i32
      %mul3A_81 = arith.muli %add3A_67, %mul3A_80 : i32
      %add3A_82 = arith.addi %mul3A_4, %mul3A_81 : i32
      "tpu.region"() ({
        %run_scoped3A = tpu.sem_alloc : memref<!tpu.dma_semaphore, #tpu.memory_space<semaphore_mem>>
        %dma_start3A_96 = tpu.memref_slice %arg4[%add3A_82] : memref<819200xi32, #tpu.memory_space<hbm>> -> memref<400xi32, #tpu.memory_space<hbm>>
        %dma_start3A_97 = tpu.memref_slice %arg4[%add3A_82] : memref<819200xi32, #tpu.memory_space<hbm>> -> memref<400xi32, #tpu.memory_space<hbm>>
        tpu.enqueue_dma source(%arg8 : memref<400xi32, #tpu.memory_space<vmem>>) target(%dma_start3A_97 : memref<400xi32, #tpu.memory_space<hbm>>) target_semaphore(%run_scoped3A : memref<!tpu.dma_semaphore, #tpu.memory_space<semaphore_mem>>)
        %dma_wait3A_98 = tpu.memref_slice %arg4[%add3A_82] : memref<819200xi32, #tpu.memory_space<hbm>> -> memref<400xi32, #tpu.memory_space<hbm>>
        %dma_wait3A_99 = tpu.memref_slice %arg4[%add3A_82] : memref<819200xi32, #tpu.memory_space<hbm>> -> memref<400xi32, #tpu.memory_space<hbm>>
        tpu.wait_dma2 semaphore(%run_scoped3A : memref<!tpu.dma_semaphore, #tpu.memory_space<semaphore_mem>>) src(%arg8 : memref<400xi32, #tpu.memory_space<vmem>>) dst(%dma_wait3A_99 : memref<400xi32, #tpu.memory_space<hbm>>)
        tpu.yield
      }) : () -> ()
      %add3A_83 = arith.constant 2 : i32
      %add3A_84 = arith.addi %add3A_67, %add3A_83 : i32
      %min3A_85 = arith.constant 63 : i32
      %min3A_86 = arith.minsi %add3A_84, %min3A_85 : i32
      %mul3A_87 = arith.constant 8 : i32
      %mul3A_88 = arith.muli %min3A_86, %mul3A_87 : i32
      %add3A_89 = arith.addi %mul3A_2, %mul3A_88 : i32
      %dma_start3A_90 = arith.constant 0 : i32
      %dma_start3A_91 = arith.constant 0 : i32
      %dma_start3A_92 = tpu.memref_slice %arg2[%add3A_89, %dma_start3A_90, %dma_start3A_91] : memref<16384x50x33xf32, #tpu.memory_space<hbm>> -> memref<8x50x33xf32, #tpu.memory_space<hbm>>
      %dma_start3A_93 = arith.constant 0 : i32
      %dma_start3A_94 = arith.constant 0 : i32
      %dma_start3A_95 = tpu.memref_slice %arg2[%add3A_89, %dma_start3A_93, %dma_start3A_94] : memref<16384x50x33xf32, #tpu.memory_space<hbm>> -> memref<8x50x33xf32, #tpu.memory_space<hbm>>
      tpu.enqueue_dma source(%dma_start3A_95 : memref<8x50x33xf32, #tpu.memory_space<hbm>>) target(%arg6 : memref<8x50x33xf32, #tpu.memory_space<vmem>>) target_semaphore(%arg10 : memref<!tpu.dma_semaphore, #tpu.memory_space<semaphore_mem>>)
    }
    %scan3A_24 = arith.constant 32 : i32
    %dma_wait3A = arith.constant 0 : i32
    %dma_wait3A_25 = arith.constant 0 : i32
    %dma_wait3A_26 = tpu.memref_slice %arg2[%mul3A_2, %dma_wait3A, %dma_wait3A_25] : memref<16384x50x33xf32, #tpu.memory_space<hbm>> -> memref<8x50x33xf32, #tpu.memory_space<hbm>>
    %dma_wait3A_27 = arith.constant 0 : i32
    %dma_wait3A_28 = arith.constant 0 : i32
    %dma_wait3A_29 = tpu.memref_slice %arg2[%mul3A_2, %dma_wait3A_27, %dma_wait3A_28] : memref<16384x50x33xf32, #tpu.memory_space<hbm>> -> memref<8x50x33xf32, #tpu.memory_space<hbm>>
    tpu.wait_dma2 semaphore(%arg9 : memref<!tpu.dma_semaphore, #tpu.memory_space<semaphore_mem>>) src(%dma_wait3A_29 : memref<8x50x33xf32, #tpu.memory_space<hbm>>) dst(%arg5 : memref<8x50x33xf32, #tpu.memory_space<vmem>>)
    %dma_wait3A_30 = arith.constant 0 : i32
    %dma_wait3A_31 = arith.constant 0 : i32
    %dma_wait3A_32 = tpu.memref_slice %arg2[%mul3A_2, %dma_wait3A_30, %dma_wait3A_31] : memref<16384x50x33xf32, #tpu.memory_space<hbm>> -> memref<8x50x33xf32, #tpu.memory_space<hbm>>
    %dma_wait3A_33 = arith.constant 0 : i32
    %dma_wait3A_34 = arith.constant 0 : i32
    %dma_wait3A_35 = tpu.memref_slice %arg2[%mul3A_2, %dma_wait3A_33, %dma_wait3A_34] : memref<16384x50x33xf32, #tpu.memory_space<hbm>> -> memref<8x50x33xf32, #tpu.memory_space<hbm>>
    tpu.wait_dma2 semaphore(%arg10 : memref<!tpu.dma_semaphore, #tpu.memory_space<semaphore_mem>>) src(%dma_wait3A_35 : memref<8x50x33xf32, #tpu.memory_space<hbm>>) dst(%arg6 : memref<8x50x33xf32, #tpu.memory_space<vmem>>)
    return
  }
}

</mosaic_0001>

<sc_bundles>
// kernel: kernel.3.cloned.1.call-start
scs
__scs_entry_jumppad:
0x0: {  	(pc) =	sbr.rel $0x88, $3  }
0x1: {  	(tag) =	ssettag $0x0;
	lr =	simm.s32 $0x1  }
0x2: {  	[smem:$0x3F9F] =	sst lr;
	_ =	strace $0xD0000000  }
0x3: {  	_ = 	snop  }
0x4: {  	_ = 	snop  }
0x5: {  	_ = 	snop  }
0x6: {  	_ = 	snop  }
0x7: {  	_ = 	snop  }
__scs_overlays_trampoline_lowered:
0x8: {  	[smem:$0x3FAE] =	sst s0  }
0x9: {  	[smem:$0x3FAF] =	sst s1  }
0xa: {  	[smem:$0x3FB0] =	sst s2  }
0xb: {  	[smem:$0x3FB1] =	sst s3  }
0xc: {  	[smem:$0x3FB2] =	sst s4  }
0xd: {  	[smem:$0x3FB3] =	sst s5  }
0xe: {  	[smem:$0x3FB4] =	sst s6  }
0xf: {  	[smem:$0x3FB5] =	sst s7  }
0x10: {  	[smem:$0x3FB6] =	sst s8  }
0x11: {  	[smem:$0x3FB7] =	sst s9;
	s0 =	simm.s32 @!p0 $0x0  }
0x12: {  	s1 =	sld [smem:$0x3F9D];
	s0 =	simm.s32 @p0 $0x1  }
0x13: {  	[smem:$0x3FB8] =	sst s0;
	s0 =	simm.s32 @!p1 $0x0  }
0x14: {  	s2 =	sld [smem:$0x3F9C];
	s0 =	simm.s32 @p1 $0x1  }
0x15: {  	[smem:$0x3FB9] =	sst s0;
	s0 =	simm.s32 @!p2 $0x0  }
0x16: {  	s3 =	sld [smem:$0x3FDB];
	s0 =	simm.s32 @p2 $0x1  }
0x17: {  	s4 =	simm.s32 $0x1BF5;
	[smem:$0x3FBB] =	sst s0  }
0x18: {  	s0 =	sld [smem:$0x3F9E];
	_ =	swait.ge [sflag:s4], $0x0  }
0x19: {  	s7 =	sld [smem:$0x3F9F]  }
0x1a: {  	s8 =	sadd.s32 $0xFFFFE003, lr  }
0x1b: {  	s9 =	sadd.s32 $0xFFFFFEF7, lr;
	s5 =	simm.s32 $0xFFFFFFFF;
	p2 =	slt.u32 s8, $0xFFFFF086  }
0x1c: {  	p1 =	slt.u32 s9, $0xF7A;
	s5 =	simm.s32 @!p2 $0x0  }
0x1d: {  	s5 =	simm.s32 @p1 $0x1;
	p0 =	seq.s32 s7, s2  }
0x1e: {  	s7 =	smul.u32 @!p0 $0xF7A, s2;
	p2 =	seq.s32 @!p0 s5, $0x0  }
0x1f: {  	s9 =	smul.u32 $0xF7A, s1;
	s8 =	simm.s32 @!p0 $0x1BF5;
	p2 =	por !p2, p0  }
0x20: {  	[sflag:s8] =	ssyncset.s32 @!p0 $0xFFFFF086;
	s6 =	sadd.s32 @!p0 s3, s7;
	s7 =	simm.s32 @!p0 $0x108  }
0x21: {  	s3 =	sadd.s32 s3, s9;
	s6 =	sadd.s32 @!p0 $0x88, s6;
	s7 =	simm.s32 @p2 $0x1082  }
0x22: {  	[simem:s7], [sflag:s8] =	dma.local @!p0 [hbm:s6], $0xF7A  }
0x23: {  	s9 =	sor.u32 $0xD0000000, s2;
	s6 =	simm.s32 $0x108;
	_ =	swait.ge @!p0 [sflag:s8], $0x0  }
0x24: {  	s3 =	sadd.s32 $0x88, s3;
	s6 =	simm.s32 @!p1 $0x1082;
	[sflag:s4] =	ssyncset.s32 $0xFFFFF086  }
0x25: {  	[simem:s6], [sflag:s4] =	dma.local [hbm:s3], $0xF7A  }
0x26: {  	[smem:$0x3F9F] =	sst s1;
	(tag) =	ssettag s2;
	_ =	strace s9  }
0x27: {  	s1 =	sld [smem:$0x3FAF]  }
0x28: {  	s2 =	sld [smem:$0x3FB0]  }
0x29: {  	s4 =	sld [smem:$0x3FB2]  }
0x2a: {  	p0 =	seq.s32 s5, $0x0;
	s5 =	sld [smem:$0x3FB3]  }
0x2b: {  	s6 =	sld [smem:$0x3FB4]  }
0x2c: {  	s7 =	sld [smem:$0x3FB5]  }
0x2d: {  	s3 =	simm.s32 $0x108;
	s8 =	sld [smem:$0x3FB6]  }
0x2e: {  	s3 =	simm.s32 @!p0 $0x1082;
	s9 =	sld [smem:$0x3FB7]  }
0x2f: {  	lr =	sadd.s32 s0, s3;
	s0 =	sld [smem:$0x3FAE]  }
0x30: {  	s3 =	sld [smem:$0x3FB1]  }
0x31: {  	[smem:$0x3FBA] =	sst s10  }
0x32: {  	s10 =	sld [smem:$0x3FB8];
	_ =	sdelay $0x3  }
0x33: {  	p0 =	seq.s32 s10, $0x1;
	s10 =	sld [smem:$0x3FBA];
	_ =	sdelay $0x3  }
0x34: {  	[smem:$0x3FBA] =	sst s10  }
0x35: {  	s10 =	sld [smem:$0x3FB9];
	_ =	sdelay $0x3  }
0x36: {  	p1 =	seq.s32 s10, $0x1;
	s10 =	sld [smem:$0x3FBA];
	_ =	sdelay $0x3  }
0x37: {  	[smem:$0x3FBA] =	sst s10  }
0x38: {  	s10 =	sld [smem:$0x3FBB]  }
0x39: {  	_ = 	snop;
	(pc) =	sbr.ind lr, $3  }
0x3a: {  	_ = 	snop  }
0x3b: {  	_ = 	snop  }
0x3c: {  	p2 =	seq.s32 s10, $0x1;
	s10 =	sld [smem:$0x3FBA]  }
0x3d: {  	_ =	shalt  }
0x3e: {  	_ =	shalt  }
0x3f: {  	_ =	shalt  }
0x40: {  	_ =	shalt  }
0x41: {  	_ =	shalt  }
0x42: {  	_ =	shalt  }
0x43: {  	_ =	shalt  }
0x44: {  	_ =	shalt  }
0x45: {  	_ =	shalt  }
0x46: {  	_ =	shalt  }
0x47: {  	_ =	shalt  }
0x48: {  	_ =	shalt  }
0x49: {  	_ =	shalt  }
0x4a: {  	_ =	shalt  }
0x4b: {  	_ =	shalt  }
0x4c: {  	_ =	shalt  }
0x4d: {  	_ =	shalt  }
0x4e: {  	_ =	shalt  }
0x4f: {  	_ =	shalt  }
0x50: {  	_ =	shalt  }
0x51: {  	_ =	shalt  }
0x52: {  	_ =	shalt  }
0x53: {  	_ =	shalt  }
0x54: {  	_ =	shalt  }
0x55: {  	_ =	shalt  }
0x56: {  	_ =	shalt  }
0x57: {  	_ =	shalt  }
0x58: {  	_ =	shalt  }
0x59: {  	_ =	shalt  }
0x5a: {  	_ =	shalt  }
0x5b: {  	_ =	shalt  }
0x5c: {  	_ =	shalt  }
0x5d: {  	_ =	shalt  }
0x5e: {  	_ =	shalt  }
0x5f: {  	_ =	shalt  }
0x60: {  	_ =	shalt  }
0x61: {  	_ =	shalt  }
0x62: {  	_ =	shalt  }
0x63: {  	_ =	shalt  }
0x64: {  	_ =	shalt  }
0x65: {  	_ =	shalt  }
0x66: {  	_ =	shalt  }
0x67: {  	_ =	shalt  }
0x68: {  	_ =	shalt  }
0x69: {  	_ =	shalt  }
0x6a: {  	_ =	shalt  }
0x6b: {  	_ =	shalt  }
0x6c: {  	_ =	shalt  }
0x6d: {  	_ =	shalt  }
0x6e: {  	_ =	shalt  }
0x6f: {  	_ =	shalt  }
0x70: {  	_ =	shalt  }
0x71: {  	_ =	shalt  }
0x72: {  	_ =	shalt  }
0x73: {  	_ =	shalt  }
0x74: {  	_ =	shalt  }
0x75: {  	_ =	shalt  }
0x76: {  	_ =	shalt  }
0x77: {  	_ =	shalt  }
0x78: {  	_ =	shalt  }
0x79: {  	_ =	shalt  }
0x7a: {  	_ =	shalt  }
0x7b: {  	_ =	shalt  }
0x7c: {  	_ =	shalt  }
0x7d: {  	_ =	shalt  }
0x7e: {  	_ =	shalt  }
0x7f: {  	_ =	shalt  }
0x80: {  	_ =	shalt  }
0x81: {  	_ =	shalt  }
0x82: {  	_ =	shalt  }
0x83: {  	_ =	shalt  }
0x84: {  	_ =	shalt  }
0x85: {  	_ =	shalt  }
0x86: {  	_ =	shalt  }
0x87: {  	_ =	shalt  }
.Lfunc_end0:
.L_simem_size_0:
called_computation_lowered:
.L_overlay_start_0:
0x88: {  	s2 =	sld [smem:$0x3FD9]  }
0x89: {  	s3 =	sld [smem:$0x3FFE];
	_ =	sdelay $0x1  }
0x8a: {  	s1 =	srdreg.scid  }
0x8b: {  	s0 =	sand.u32 $0x1, s1  }
0x8c: {  	s17 =	sshll.u32 s0, $0xA;
	s2 =	sadd.s32 s3, s2  }
0x8d: {  	s2 =	sadd.s32 s2, s17  }
0x8e: {  	[smem:$0x3FC6] =	sst s2  }
0x8f: {  	_ = 	snop  }
0x90: {  	s2 =	sld [smem:$0x3FD0];
	(tm) =	ssettm $0x1  }
0x91: {  	s18 =	sld [smem:$0x3FFB];
	_ =	sdelay $0x3  }
0x92: {  	_ =	strace s18  }
0x93: {  	s3 =	sld [smem:$0x3FFC];
	_ =	sdelay $0x3  }
0x94: {  	_ =	strace s3  }
0x95: {  	s3 =	sld [smem:$0x3FFD];
	_ =	sdelay $0x3  }
0x96: {  	_ =	strace s3  }
0x97: {  	_ =	strace $0x8FFFFFFF  }
0x98: {  	s19 =	sld [smem:$0x3FDB];
	_ =	sdelay $0x1  }
0x99: {  	s4 =	simm.s32 $_scs_section_size  }
0x9a: {  	s5 =	simm.s32 $_size__tile_overlayer_lowered;
	s6 =	simm.s32 $_tile_overlayer_lowered  }
0x9b: {  	s22 =	simm.s32 $0x1BFF;
	s21 =	sshll.u32 s6, $0x1;
	s3 =	sadd.s32 s4, s19  }
0x9c: {  	s7 =	simm.s32 $0x0;
	s20 =	sshll.u32 s5, $0x1;
	s5 =	sadd.s32 s21, s3  }
0x9d: {  	[timem:s7], [sflag:s22] =	dma.local [hbm:s5], s20  }
0x9e: {  	_ =	swait.ge [sflag:s22], s20  }
0x9f: {  	s4 =	ssub.s32 $0x0, s20;
	[sflag:s22] =	ssyncset.done $0x0  }
0xa0: {  	[sflag:s22] =	ssyncadd.s32 s4;
	_ =	sdelay $0x1  }
0xa1: {  	s23 =	simm.s32 $0x1B8B  }
0xa2: {  	_ =	swait.ge [sflag:s23], $0x1  }
0xa3: {  	[sflag:s23] =	ssyncset.done $0x0  }
0xa4: {  	s25 =	simm.s32 $0x1B8E;
	s24 =	sld [smem:$0x3FFE];
	[sflag:s23] =	ssyncadd.s32 $0xFFFFFFFF  }
0xa5: {  	s26 =	simm.s32 $execute0_lowered;
	[smem:$0x3FD2] =	sst s25  }
0xa6: {  	s5 =	sshll.u32 s26, $0x1;
	_ =	strace $0x80000046;
	[dreg:$0x1] =	wrdreg $0xFFFFFFFF  }
0xa7: {  	s28 =	simm.s32 $_size_execute0_lowered;
	s3 =	sadd.s32 s3, s5;
	[dreg:$0x0] =	wrdreg $0x0  }
0xa8: {  	s5 =	sshll.u32 s28, $0x1;
	[dreg:$0x2] =	wrdreg s3  }
0xa9: {  	[dreg:$0x3] =	wrdreg s5  }
0xaa: {  	[dreg:$0x4] =	wrdreg $0xC0  }
0xab: {  	_ =	task [dreg:s7], $0x5FFFF  }
0xac: {  	[dreg:$0x1] =	wrdreg $0xFFFFFFFF  }
0xad: {  	[dreg:$0x0] =	wrdreg $0x60  }
0xae: {  	[dreg:$0x2] =	wrdreg s24  }
0xaf: {  	[dreg:$0x3] =	wrdreg s2  }
0xb0: {  	[dreg:$0x4] =	wrdreg $0x9  }
0xb1: {  	_ =	task.clear_ibuf [dreg:s7], $0x5FFFF;
	_ =	strace $0x90000046  }
0xb2: {  	s29 =	simm.s32 $0x9;
	_ =	strace $0x80000048  }
0xb3: {  	_ =	swait.ge [sflag:s29], $0x1  }
0xb4: {  	[sflag:s29] =	ssyncadd.s32 $0xFFFFFFFF  }
0xb5: {  	_ =	strace $0x90000048  }
0xb6: {  	_ =	sfence  }
0xb7: {  	s30 =	sld [smem:$0x0];
	_ =	sdelay $0x2  }
0xb8: {  	s31 =	sshll.u32 s1, $0xD;
	s1 =	sshrl.u32 s1, $0x2  }
0xb9: {  	s3 =	sand.u32 $0x4000, s31;
	s1 =	sadd.s32 s1, s30  }
0xba: {  	s0 =	sor.u32 s3, s0;
	s1 =	sshll.u32 s1, $0x11  }
0xbb: {  	s0 =	sor.u32 s1, s0  }
0xbc: {  	s0 =	sadd.s32 $0x8F2B, s0  }
0xbd: {  	[sflag:s0] =	ssyncadd.remote.s32 $0x1  }
0xbe: {  	_ =	sfence.sel $0xFFFF  }
0xbf: {  	[dreg:$0x0] =	wrdreg $0xFFFFFFFF;
	(pc) =	sbr.abs _section_cstart, $3  }
0xc0: {  	[dreg:$0x1] =	wrdreg $0xFFFFFFFF  }
0xc1: {  	_ =	task.clear_ibuf [dreg:s7], $0x2FFFF;
	_ =	strace $0x9FFFFFFF  }
0xc2: {  	(tm) =	ssettm $0x7FFFFFFF  }
0xc3: {  	_ =	shalt  }
tec
execute0_lowered:
.L_overlay_start_1:
0x0: {  	(tag) =	ssettag $0x1  }
0x1: {  	s5 =	rddreg [dreg:$0x0]  }
0x2: {  	s2 =	rddreg [dreg:$0x1]  }
0x3: {  	s0 =	rddreg [dreg:$0x2];
	s3 =	simm.s32 $0x0;
	s4 =	srdreg.scid  }
0x4: {  	s1 =	stileid.u32;
	s13 =	simm.s32 $0x7D00;
	s14 =	simm.s32 $0x3  }
0x5: {  	s15 =	simm.s32 $0x3E80;
	s16 =	simm.s32 $0x1;
	s17 =	simm.s32 $0x2  }
0x6: {  	s18 =	simm.s32 $0x7E00;
	s19 =	simm.s32 $0x0;
	[smem:$0x7FF] =	sst s3  }
0x7: {  	s6 =	sand.u32 $0x1, s4;
	s31 =	sshll.u32 s1, $0x1;
	s4 =	sadd.s32 $0x600, s5  }
0x8: {  	s5 =	sadd.s32 $0x3E8600, s5;
	s7 =	sor.u32 s6, s31;
	s6 =	ssub.s32 $0x2, s6  }
0x9: {  	_ =	strace $0x80000047;
	s8 =	smul.u32 $0xFA000, s7;
	s9 =	sshrl.u32 s6, $0x1  }
0xa: {  	s10 =	smul.u32 $0x1F400, s7;
	s11 =	sshll.u32 s7, $0x9;
	s12 =	ssub.s32 s6, s9  }
0xb: {  	s6 =	smul.u32 $0x6400, s7;
	s9 =	sor.u32 $0x10, s11;
	s8 =	sshrl.u32 s8, $0x3  }
0xc: {  	s11 =	sor.u32 $0x18, s11;
	s7 =	sadd.s32 s4, s10;
	s8 =	sadd.s32 s4, s8  }
0xd: {  	v0 =	vlaneseq.u32;
	v1 =	vimm.s32 $0x0;
	s12 =	smax.u32 s12, $0x1;
	s10 =	sor.u32 $0x190, s6;
	s8 =	sadd.s32 $0x7D0, s8  }
.LBB2_1:
0xe: {  	[tilespmem:s13], [sflag:$0x3] =	stream.linear.gather [hbm4b:s5+s3], $0x100, $0x38;
	[tilespmem:$0x7F90] =	vst v63  }
0xf: {  	_ =	swait.ge [sflag:s14], $0x100  }
0x10: {  	[sflag:s14] =	ssyncset.done $0x0  }
0x11: {  	[sflag:s14] =	ssyncadd.s32 $0xFFFFFF00  }
0x12: {  	[tilespmem:s3], [sflag:$0x1] =	stream.linear.gather [hbm4b:s7+s3], $0x3E80, $0x38;
	[tilespmem:$0x7F90] =	vst v63  }
0x13: {  	s20 =	simm.s32 $0x0  }
0x14: {  	[tilespmem:s15], [sflag:$0x2] =	stream.linear.gather [hbm4b:s8+s3], $0x3E80, $0x38;
	[tilespmem:$0x7F90] =	vst v63  }
.LBB2_2:
0x15: {  	s21 =	simm.s32 $0x0  }
0x16: {  	v2 =	vor.u32 s21, v0  }
0x17: {  	v3 =	vmul.u32 $0x147B, v2;
	_ =	sdelay $0x1  }
0x18: {  	v3 =	vshrl.u32 v3, $0x12  }
0x19: {  	v4 =	vmul.u32 $0xFFFFFFCE, v3;
	_ =	sdelay $0x1  }
0x1a: {  	v2 =	vadd.s32 v2, v4  }
0x1b: {  	v3 =	vmul.u32 $0x7D0, v3;
	v2 =	vmul.u32 $0x28, v2;
	_ =	sdelay $0x1  }
0x1c: {  	v2 =	vadd.s32 v3, v2  }
0x1d: {  	v3 =	vor.u32 $0x1, v2  }
0x1e: {  	_ =	swait.ge [sflag:s16], $0x3E80  }
0x1f: {  	[sflag:s16] =	ssyncset.done $0x0;
	v4 =	vor.u32 $0x2, v2  }
0x20: {  	[sflag:s16] =	ssyncadd.s32 $0xFFFFC180  }
0x21: {  	v5 =	vor.u32 $0x3, v2;
	v6 =	vld.idx.msk [tilespmem:v2+s3+$0x0], $0xffff  }
0x22: {  	v3 =	vld.idx.msk [tilespmem:v3+s3+$0x0], $0xffff  }
0x23: {  	v7 =	vor.u32 $0x4, v2  }
0x24: {  	v4 =	vld.idx.msk [tilespmem:v4+s3+$0x0], $0xffff  }
0x25: {  	v8 =	vor.u32 $0x5, v2  }
0x26: {  	v5 =	vld.idx.msk [tilespmem:v5+s3+$0x0], $0xffff  }
0x27: {  	v9 =	vor.u32 $0x6, v2;
	vm0 =	vgt.f32 v3, v6  }
0x28: {  	v7 =	vld.idx.msk [tilespmem:v7+s3+$0x0], $0xffff;
	v3 =	vsel vm0, v3, v6  }
0x29: {  	v6 =	vor.u32 $0x7, v2;
	vm1 =	vgt.f32 v4, v3  }
0x2a: {  	v8 =	vld.idx.msk [tilespmem:v8+s3+$0x0], $0xffff;
	v3 =	vsel vm1, v4, v3  }
0x2b: {  	v4 =	vadd.s32 $0x8, v2;
	vm2 =	vgt.f32 v5, v3  }
0x2c: {  	v9 =	vld.idx.msk [tilespmem:v9+s3+$0x0], $0xffff;
	v3 =	vsel vm2, v5, v3  }
0x2d: {  	v5 =	vadd.s32 $0x9, v2;
	vm3 =	vgt.f32 v7, v3  }
0x2e: {  	v6 =	vld.idx.msk [tilespmem:v6+s3+$0x0], $0xffff;
	v3 =	vsel vm3, v7, v3  }
0x2f: {  	v7 =	vadd.s32 $0xA, v2;
	vm4 =	vgt.f32 v8, v3  }
0x30: {  	v4 =	vld.idx.msk [tilespmem:v4+s3+$0x0], $0xffff;
	v3 =	vsel vm4, v8, v3  }
0x31: {  	v40 =	vadd.s32 $0xB, v2;
	vm5 =	vgt.f32 v9, v3  }
0x32: {  	v5 =	vld.idx.msk [tilespmem:v5+s3+$0x0], $0xffff;
	v3 =	vsel vm5, v9, v3  }
0x33: {  	v41 =	vadd.s32 $0xC, v2;
	vm6 =	vgt.f32 v6, v3  }
0x34: {  	v7 =	vld.idx.msk [tilespmem:v7+s3+$0x0], $0xffff;
	v3 =	vsel vm6, v6, v3  }
0x35: {  	v6 =	vadd.s32 $0xD, v2;
	vm7 =	vgt.f32 v4, v3  }
0x36: {  	v8 =	vld.idx.msk [tilespmem:v40+s3+$0x0], $0xffff;
	v3 =	vsel vm7, v4, v3  }
0x37: {  	v4 =	vadd.s32 $0xE, v2;
	vm8 =	vgt.f32 v5, v3  }
0x38: {  	v9 =	vld.idx.msk [tilespmem:v41+s3+$0x0], $0xffff;
	v3 =	vsel vm8, v5, v3  }
0x39: {  	v5 =	vadd.s32 $0xF, v2;
	vm9 =	vgt.f32 v7, v3  }
0x3a: {  	v6 =	vld.idx.msk [tilespmem:v6+s3+$0x0], $0xffff;
	v3 =	vsel vm9, v7, v3  }
0x3b: {  	v7 =	vadd.s32 $0x10, v2;
	vm10 =	vgt.f32 v8, v3  }
0x3c: {  	v4 =	vld.idx.msk [tilespmem:v4+s3+$0x0], $0xffff;
	v3 =	vsel vm10, v8, v3  }
0x3d: {  	v42 =	vadd.s32 $0x11, v2;
	vm11 =	vgt.f32 v9, v3  }
0x3e: {  	v5 =	vld.idx.msk [tilespmem:v5+s3+$0x0], $0xffff;
	v3 =	vsel vm11, v9, v3  }
0x3f: {  	v43 =	vadd.s32 $0x12, v2;
	vm12 =	vgt.f32 v6, v3  }
0x40: {  	v7 =	vld.idx.msk [tilespmem:v7+s3+$0x0], $0xffff;
	v3 =	vsel vm12, v6, v3  }
0x41: {  	v6 =	vadd.s32 $0x13, v2;
	vm13 =	vgt.f32 v4, v3  }
0x42: {  	v8 =	vld.idx.msk [tilespmem:v42+s3+$0x0], $0xffff;
	v3 =	vsel vm13, v4, v3  }
0x43: {  	v4 =	vadd.s32 $0x14, v2;
	vm14 =	vgt.f32 v5, v3  }
0x44: {  	v9 =	vld.idx.msk [tilespmem:v43+s3+$0x0], $0xffff;
	v3 =	vsel vm14, v5, v3  }
0x45: {  	v5 =	vadd.s32 $0x15, v2;
	vm15 =	vgt.f32 v7, v3  }
0x46: {  	v10 =	vsel vm0, $0x1, v1;
	v6 =	vld.idx.msk [tilespmem:v6+s3+$0x0], $0xffff;
	v3 =	vsel vm15, v7, v3  }
0x47: {  	v10 =	vsel vm1, $0x2, v10;
	v7 =	vadd.s32 $0x16, v2;
	vm0 =	vgt.f32 v8, v3  }
0x48: {  	v10 =	vsel vm2, $0x3, v10;
	v4 =	vld.idx.msk [tilespmem:v4+s3+$0x0], $0xffff;
	v3 =	vsel vm0, v8, v3  }
0x49: {  	v44 =	vadd.s32 $0x17, v2;
	v10 =	vsel vm3, $0x4, v10;
	vm1 =	vgt.f32 v9, v3  }
0x4a: {  	v10 =	vsel vm4, $0x5, v10;
	v5 =	vld.idx.msk [tilespmem:v5+s3+$0x0], $0xffff;
	v3 =	vsel vm1, v9, v3  }
0x4b: {  	v45 =	vadd.s32 $0x18, v2;
	v10 =	vsel vm5, $0x6, v10;
	vm2 =	vgt.f32 v6, v3  }
0x4c: {  	v10 =	vsel vm6, $0x7, v10;
	v7 =	vld.idx.msk [tilespmem:v7+s3+$0x0], $0xffff;
	v3 =	vsel vm2, v6, v3  }
0x4d: {  	v10 =	vsel vm7, $0x8, v10;
	v6 =	vadd.s32 $0x19, v2;
	vm3 =	vgt.f32 v4, v3  }
0x4e: {  	v10 =	vsel vm8, $0x9, v10;
	v8 =	vld.idx.msk [tilespmem:v44+s3+$0x0], $0xffff;
	v3 =	vsel vm3, v4, v3  }
0x4f: {  	v10 =	vsel vm9, $0xA, v10;
	v4 =	vadd.s32 $0x1A, v2;
	vm9 =	vgt.f32 v5, v3  }
0x50: {  	v10 =	vsel vm10, $0xB, v10;
	v9 =	vld.idx.msk [tilespmem:v45+s3+$0x0], $0xffff;
	v3 =	vsel vm9, v5, v3  }
0x51: {  	v10 =	vsel vm11, $0xC, v10;
	v5 =	vadd.s32 $0x1B, v2;
	vm11 =	vgt.f32 v7, v3  }
0x52: {  	v11 =	vadd.s32 $0x20, v2;
	v10 =	vsel vm12, $0xD, v10;
	v6 =	vld.idx.msk [tilespmem:v6+s3+$0x0], $0xffff;
	v3 =	vsel vm11, v7, v3  }
0x53: {  	v10 =	vsel vm13, $0xE, v10;
	v7 =	vadd.s32 $0x1C, v2;
	vm13 =	vgt.f32 v8, v3  }
0x54: {  	v10 =	vsel vm14, $0xF, v10;
	v4 =	vld.idx.msk [tilespmem:v4+s3+$0x0], $0xffff;
	v3 =	vsel vm13, v8, v3  }
0x55: {  	v46 =	vadd.s32 $0x1D, v2;
	v10 =	vsel vm15, $0x10, v10;
	vm15 =	vgt.f32 v9, v3  }
0x56: {  	v10 =	vsel vm0, $0x11, v10;
	v5 =	vld.idx.msk [tilespmem:v5+s3+$0x0], $0xffff;
	v3 =	vsel vm15, v9, v3  }
0x57: {  	v47 =	vadd.s32 $0x1E, v2;
	v11 =	vld.idx.msk [tilespmem:v11+s3+$0x0], $0xffff;
	v10 =	vsel vm1, $0x12, v10;
	vm0 =	vgt.f32 v6, v3  }
0x58: {  	v10 =	vsel vm2, $0x13, v10;
	v7 =	vld.idx.msk [tilespmem:v7+s3+$0x0], $0xffff;
	v3 =	vsel vm0, v6, v3  }
0x59: {  	v2 =	vadd.s32 $0x1F, v2;
	v6 =	vsel vm3, $0x14, v10;
	vm1 =	vgt.f32 v4, v3  }
0x5a: {  	v8 =	vld.idx.msk [tilespmem:v46+s3+$0x0], $0xffff;
	v6 =	vsel vm9, $0x15, v6;
	v3 =	vsel vm1, v4, v3  }
0x5b: {  	v4 =	vsel vm11, $0x16, v6;
	vm2 =	vgt.f32 v5, v3  }
0x5c: {  	s31 =	simm.s32 $0x10;
	v6 =	vld.idx.msk [tilespmem:v47+s3+$0x0], $0xffff;
	v4 =	vsel vm13, $0x17, v4;
	v3 =	vsel vm2, v5, v3;
	v5 =	vmul.f32 $8.000000000e+00, v11  }
0x5d: {  	v48 =	vor.u32 s31, v0;
	v4 =	vsel vm15, $0x18, v4;
	vm3 =	vgt.f32 v7, v3  }
0x5e: {  	v2 =	vld.idx.msk [tilespmem:v2+s3+$0x0], $0xffff;
	v4 =	vsel vm0, $0x19, v4;
	v3 =	vsel vm3, v7, v3;
	v5 =	vtrunc.f32 v5  }
0x5f: {  	v4 =	vsel vm1, $0x1A, v4;
	vm0 =	vgt.f32 v8, v3;
	v5 =	vcvt.f32.s32 v5  }
0x60: {  	v7 =	vmul.u32 $0x147B, v48;
	v4 =	vsel vm2, $0x1B, v4;
	v3 =	vsel vm0, v8, v3  }
0x61: {  	v4 =	vsel vm3, $0x1C, v4;
	vm1 =	vgt.f32 v6, v3;
	vm2 =	vgt.s32 v5, $0x0  }
0x62: {  	v4 =	vsel vm0, $0x1D, v4;
	v3 =	vsel vm1, v6, v3;
	v5 =	vnsel vm2, $0x0, v5  }
0x63: {  	v4 =	vsel vm1, $0x1E, v4;
	vm0 =	vgt.f32 v2, v3;
	v2 =	vmin.u32 v5, $0x7  }
0x64: {  	v3 =	vsel vm0, $0x1F, v4;
	v2 =	vshll.u32 v2, $0x5;
	v4 =	vshrl.u32 v7, $0x12  }
0x65: {  	v2 =	vadd.s32 v2, v3;
	v3 =	vmul.u32 $0xFFFFFFCE, v4;
	_ =	sdelay $0x1  }
0x66: {  	v3 =	vadd.s32 v48, v3  }
0x67: {  	v4 =	vmul.u32 $0x7D0, v4;
	v3 =	vmul.u32 $0x28, v3;
	_ =	sdelay $0x1  }
0x68: {  	v5 =	vld.idx.msk [tilespmem:v2+s13+$0x0], $0xffff;
	v2 =	vadd.s32 v4, v3  }
0x69: {  	v3 =	vor.u32 $0x1, v2;
	_ =	sdelay $0x2  }
0x6a: {  	s21 =	simm.s32 $0x7E00;
	v4 =	vor.u32 $0x2, v2  }
0x6b: {  	[tilespmem:s21+$0x0] =	vst v5  }
0x6c: {  	v5 =	vor.u32 $0x3, v2;
	v3 =	vld.idx.msk [tilespmem:v3+s3+$0x0], $0xffff  }
0x6d: {  	v6 =	vld.idx.msk [tilespmem:v2+s3+$0x0], $0xffff  }
0x6e: {  	v7 =	vor.u32 $0x4, v2  }
0x6f: {  	v4 =	vld.idx.msk [tilespmem:v4+s3+$0x0], $0xffff  }
0x70: {  	v49 =	vor.u32 $0x5, v2  }
0x71: {  	v5 =	vld.idx.msk [tilespmem:v5+s3+$0x0], $0xffff  }
0x72: {  	v50 =	vor.u32 $0x6, v2;
	vm0 =	vgt.f32 v3, v6  }
0x73: {  	v7 =	vld.idx.msk [tilespmem:v7+s3+$0x0], $0xffff;
	v3 =	vsel vm0, v3, v6  }
0x74: {  	v6 =	vor.u32 $0x7, v2;
	vm1 =	vgt.f32 v4, v3  }
0x75: {  	v8 =	vld.idx.msk [tilespmem:v49+s3+$0x0], $0xffff;
	v3 =	vsel vm1, v4, v3  }
0x76: {  	v4 =	vadd.s32 $0x8, v2;
	vm2 =	vgt.f32 v5, v3  }
0x77: {  	v9 =	vld.idx.msk [tilespmem:v50+s3+$0x0], $0xffff;
	v3 =	vsel vm2, v5, v3  }
0x78: {  	v5 =	vadd.s32 $0x9, v2;
	vm3 =	vgt.f32 v7, v3  }
0x79: {  	v6 =	vld.idx.msk [tilespmem:v6+s3+$0x0], $0xffff;
	v3 =	vsel vm3, v7, v3  }
0x7a: {  	v7 =	vadd.s32 $0xA, v2;
	vm4 =	vgt.f32 v8, v3  }
0x7b: {  	v4 =	vld.idx.msk [tilespmem:v4+s3+$0x0], $0xffff;
	v3 =	vsel vm4, v8, v3  }
0x7c: {  	v51 =	vadd.s32 $0xB, v2;
	vm5 =	vgt.f32 v9, v3  }
0x7d: {  	v5 =	vld.idx.msk [tilespmem:v5+s3+$0x0], $0xffff;
	v3 =	vsel vm5, v9, v3  }
0x7e: {  	v52 =	vadd.s32 $0xC, v2;
	vm6 =	vgt.f32 v6, v3  }
0x7f: {  	v7 =	vld.idx.msk [tilespmem:v7+s3+$0x0], $0xffff;
	v3 =	vsel vm6, v6, v3  }
0x80: {  	v6 =	vadd.s32 $0xD, v2;
	vm7 =	vgt.f32 v4, v3  }
0x81: {  	v8 =	vld.idx.msk [tilespmem:v51+s3+$0x0], $0xffff;
	v3 =	vsel vm7, v4, v3  }
0x82: {  	v4 =	vadd.s32 $0xE, v2;
	vm8 =	vgt.f32 v5, v3  }
0x83: {  	v9 =	vld.idx.msk [tilespmem:v52+s3+$0x0], $0xffff;
	v3 =	vsel vm8, v5, v3  }
0x84: {  	v5 =	vadd.s32 $0xF, v2;
	vm9 =	vgt.f32 v7, v3  }
0x85: {  	v6 =	vld.idx.msk [tilespmem:v6+s3+$0x0], $0xffff;
	v3 =	vsel vm9, v7, v3  }
0x86: {  	v7 =	vadd.s32 $0x10, v2;
	vm10 =	vgt.f32 v8, v3  }
0x87: {  	v4 =	vld.idx.msk [tilespmem:v4+s3+$0x0], $0xffff;
	v3 =	vsel vm10, v8, v3  }
0x88: {  	v53 =	vadd.s32 $0x11, v2;
	vm11 =	vgt.f32 v9, v3  }
0x89: {  	v5 =	vld.idx.msk [tilespmem:v5+s3+$0x0], $0xffff;
	v3 =	vsel vm11, v9, v3  }
0x8a: {  	v54 =	vadd.s32 $0x12, v2;
	vm12 =	vgt.f32 v6, v3  }
0x8b: {  	v7 =	vld.idx.msk [tilespmem:v7+s3+$0x0], $0xffff;
	v3 =	vsel vm12, v6, v3  }
0x8c: {  	v6 =	vadd.s32 $0x13, v2;
	vm13 =	vgt.f32 v4, v3  }
0x8d: {  	v8 =	vld.idx.msk [tilespmem:v53+s3+$0x0], $0xffff;
	v3 =	vsel vm13, v4, v3  }
0x8e: {  	v4 =	vadd.s32 $0x14, v2;
	vm14 =	vgt.f32 v5, v3  }
0x8f: {  	v9 =	vld.idx.msk [tilespmem:v54+s3+$0x0], $0xffff;
	v3 =	vsel vm14, v5, v3  }
0x90: {  	v5 =	vadd.s32 $0x15, v2;
	vm15 =	vgt.f32 v7, v3  }
0x91: {  	v55 =	vsel vm0, $0x1, v1;
	v6 =	vld.idx.msk [tilespmem:v6+s3+$0x0], $0xffff;
	v3 =	vsel vm15, v7, v3  }
0x92: {  	v10 =	vsel vm1, $0x2, v55;
	v7 =	vadd.s32 $0x16, v2;
	vm0 =	vgt.f32 v8, v3  }
0x93: {  	v10 =	vsel vm2, $0x3, v10;
	v4 =	vld.idx.msk [tilespmem:v4+s3+$0x0], $0xffff;
	v3 =	vsel vm0, v8, v3  }
0x94: {  	v56 =	vadd.s32 $0x17, v2;
	v10 =	vsel vm3, $0x4, v10;
	vm1 =	vgt.f32 v9, v3  }
0x95: {  	v10 =	vsel vm4, $0x5, v10;
	v5 =	vld.idx.msk [tilespmem:v5+s3+$0x0], $0xffff;
	v3 =	vsel vm1, v9, v3  }
0x96: {  	v57 =	vadd.s32 $0x18, v2;
	v10 =	vsel vm5, $0x6, v10;
	vm2 =	vgt.f32 v6, v3  }
0x97: {  	v10 =	vsel vm6, $0x7, v10;
	v7 =	vld.idx.msk [tilespmem:v7+s3+$0x0], $0xffff;
	v3 =	vsel vm2, v6, v3  }
0x98: {  	v10 =	vsel vm7, $0x8, v10;
	v6 =	vadd.s32 $0x19, v2;
	vm3 =	vgt.f32 v4, v3  }
0x99: {  	v10 =	vsel vm8, $0x9, v10;
	v8 =	vld.idx.msk [tilespmem:v56+s3+$0x0], $0xffff;
	v3 =	vsel vm3, v4, v3  }
0x9a: {  	v10 =	vsel vm9, $0xA, v10;
	v4 =	vadd.s32 $0x1A, v2;
	vm9 =	vgt.f32 v5, v3  }
0x9b: {  	v10 =	vsel vm10, $0xB, v10;
	v9 =	vld.idx.msk [tilespmem:v57+s3+$0x0], $0xffff;
	v3 =	vsel vm9, v5, v3  }
0x9c: {  	v10 =	vsel vm11, $0xC, v10;
	v5 =	vadd.s32 $0x1B, v2;
	vm11 =	vgt.f32 v7, v3  }
0x9d: {  	v58 =	vadd.s32 $0x20, v2;
	v10 =	vsel vm12, $0xD, v10;
	v6 =	vld.idx.msk [tilespmem:v6+s3+$0x0], $0xffff;
	v3 =	vsel vm11, v7, v3  }
0x9e: {  	v10 =	vsel vm13, $0xE, v10;
	v7 =	vadd.s32 $0x1C, v2;
	vm13 =	vgt.f32 v8, v3  }
0x9f: {  	v10 =	vsel vm14, $0xF, v10;
	v4 =	vld.idx.msk [tilespmem:v4+s3+$0x0], $0xffff;
	v3 =	vsel vm13, v8, v3  }
0xa0: {  	v59 =	vadd.s32 $0x1D, v2;
	v10 =	vsel vm15, $0x10, v10;
	vm15 =	vgt.f32 v9, v3  }
0xa1: {  	v10 =	vsel vm0, $0x11, v10;
	v5 =	vld.idx.msk [tilespmem:v5+s3+$0x0], $0xffff;
	v3 =	vsel vm15, v9, v3  }
0xa2: {  	v60 =	vadd.s32 $0x1E, v2;
	v11 =	vld.idx.msk [tilespmem:v58+s3+$0x0], $0xffff;
	v10 =	vsel vm1, $0x12, v10;
	vm0 =	vgt.f32 v6, v3  }
0xa3: {  	v10 =	vsel vm2, $0x13, v10;
	v7 =	vld.idx.msk [tilespmem:v7+s3+$0x0], $0xffff;
	v3 =	vsel vm0, v6, v3  }
0xa4: {  	v6 =	vadd.s32 $0x1F, v2;
	v2 =	vsel vm3, $0x14, v10;
	vm1 =	vgt.f32 v4, v3  }
0xa5: {  	v8 =	vld.idx.msk [tilespmem:v59+s3+$0x0], $0xffff;
	v2 =	vsel vm9, $0x15, v2;
	v3 =	vsel vm1, v4, v3  }
0xa6: {  	v2 =	vsel vm11, $0x16, v2;
	vm2 =	vgt.f32 v5, v3  }
0xa7: {  	s22 =	simm.s32 $0x20;
	v4 =	vld.idx.msk [tilespmem:v60+s3+$0x0], $0xffff;
	v61 =	vsel vm13, $0x17, v2;
	v3 =	vsel vm2, v5, v3;
	v5 =	vmul.f32 $8.000000000e+00, v11  }
0xa8: {  	v2 =	vor.u32 s22, v0;
	v9 =	vsel vm15, $0x18, v61;
	vm3 =	vgt.f32 v7, v3  }
0xa9: {  	v6 =	vld.idx.msk [tilespmem:v6+s3+$0x0], $0xffff;
	v9 =	vsel vm0, $0x19, v9;
	v7 =	vsel vm3, v7, v3;
	v3 =	vtrunc.f32 v5  }
0xaa: {  	v5 =	vsel vm1, $0x1A, v9;
	vm0 =	vgt.f32 v8, v7;
	v62 =	vcvt.f32.s32 v3  }
0xab: {  	v3 =	vmul.u32 $0x147B, v2;
	v5 =	vsel vm2, $0x1B, v5;
	v7 =	vsel vm0, v8, v7  }
0xac: {  	v5 =	vsel vm3, $0x1C, v5;
	vm1 =	vgt.f32 v4, v7;
	vm2 =	vgt.s32 v62, $0x0  }
0xad: {  	v5 =	vsel vm0, $0x1D, v5;
	v7 =	vsel vm1, v4, v7;
	v63 =	vnsel vm2, $0x0, v62  }
0xae: {  	s22 =	simm.s32 $0x30;
	v4 =	vsel vm1, $0x1E, v5;
	vm0 =	vgt.f32 v6, v7;
	v5 =	vmin.u32 v63, $0x7  }
.LBB2_3:
0xaf: {  	p0 =	sne.s32 s22, $0x180;
	v4 =	vsel vm0, $0x1F, v4;
	v5 =	vshll.u32 v5, $0x5  }
0xb0: {  	v3 =	vshrl.u32 v3, $0x12;
	v4 =	vadd.s32 v5, v4  }
0xb1: {  	v5 =	vmul.u32 $0xFFFFFFCE, v3;
	_ =	sdelay $0x1  }
0xb2: {  	v2 =	vadd.s32 v2, v5  }
0xb3: {  	v3 =	vmul.u32 $0x7D0, v3;
	v2 =	vmul.u32 $0x28, v2  }
0xb4: {  	v4 =	vld.idx.msk [tilespmem:v4+s13+$0x0], $0xffff  }
0xb5: {  	v2 =	vadd.s32 v3, v2  }
0xb6: {  	v3 =	vor.u32 $0x1, v2;
	_ =	sdelay $0x2  }
0xb7: {  	s21 =	sadd.s32 $0x10, s21;
	v5 =	vor.u32 $0x2, v2  }
0xb8: {  	[tilespmem:s21+$0x0] =	vst v4  }
0xb9: {  	v4 =	vor.u32 $0x3, v2;
	v3 =	vld.idx.msk [tilespmem:v3+s3+$0x0], $0xffff  }
0xba: {  	v6 =	vld.idx.msk [tilespmem:v2+s3+$0x0], $0xffff  }
0xbb: {  	v7 =	vor.u32 $0x4, v2  }
0xbc: {  	v5 =	vld.idx.msk [tilespmem:v5+s3+$0x0], $0xffff  }
0xbd: {  	v8 =	vor.u32 $0x5, v2  }
0xbe: {  	v4 =	vld.idx.msk [tilespmem:v4+s3+$0x0], $0xffff  }
0xbf: {  	v9 =	vor.u32 $0x6, v2  }
0xc0: {  	vm0 =	vgt.f32 v3, v6;
	v7 =	vld.idx.msk [tilespmem:v7+s3+$0x0], $0xffff  }
0xc1: {  	v3 =	vsel vm0, v3, v6;
	v6 =	vor.u32 $0x7, v2  }
0xc2: {  	vm1 =	vgt.f32 v5, v3;
	v8 =	vld.idx.msk [tilespmem:v8+s3+$0x0], $0xffff  }
0xc3: {  	v3 =	vsel vm1, v5, v3;
	v5 =	vadd.s32 $0x8, v2  }
0xc4: {  	vm2 =	vgt.f32 v4, v3;
	v9 =	vld.idx.msk [tilespmem:v9+s3+$0x0], $0xffff  }
0xc5: {  	v3 =	vsel vm2, v4, v3;
	v4 =	vadd.s32 $0x9, v2  }
0xc6: {  	vm3 =	vgt.f32 v7, v3;
	v6 =	vld.idx.msk [tilespmem:v6+s3+$0x0], $0xffff  }
0xc7: {  	v3 =	vsel vm3, v7, v3;
	v7 =	vadd.s32 $0xA, v2  }
0xc8: {  	vm4 =	vgt.f32 v8, v3;
	v5 =	vld.idx.msk [tilespmem:v5+s3+$0x0], $0xffff  }
0xc9: {  	v3 =	vsel vm4, v8, v3;
	v8 =	vadd.s32 $0xB, v2  }
0xca: {  	vm5 =	vgt.f32 v9, v3;
	v4 =	vld.idx.msk [tilespmem:v4+s3+$0x0], $0xffff  }
0xcb: {  	v3 =	vsel vm5, v9, v3;
	v9 =	vadd.s32 $0xC, v2  }
0xcc: {  	vm6 =	vgt.f32 v6, v3;
	v7 =	vld.idx.msk [tilespmem:v7+s3+$0x0], $0xffff  }
0xcd: {  	v3 =	vsel vm6, v6, v3;
	v6 =	vadd.s32 $0xD, v2  }
0xce: {  	vm7 =	vgt.f32 v5, v3;
	v8 =	vld.idx.msk [tilespmem:v8+s3+$0x0], $0xffff  }
0xcf: {  	v3 =	vsel vm7, v5, v3;
	v5 =	vadd.s32 $0xE, v2  }
0xd0: {  	vm8 =	vgt.f32 v4, v3;
	v9 =	vld.idx.msk [tilespmem:v9+s3+$0x0], $0xffff  }
0xd1: {  	v3 =	vsel vm8, v4, v3;
	v4 =	vadd.s32 $0xF, v2  }
0xd2: {  	vm9 =	vgt.f32 v7, v3;
	v6 =	vld.idx.msk [tilespmem:v6+s3+$0x0], $0xffff  }
0xd3: {  	v3 =	vsel vm9, v7, v3;
	v7 =	vadd.s32 $0x10, v2  }
0xd4: {  	vm10 =	vgt.f32 v8, v3;
	v5 =	vld.idx.msk [tilespmem:v5+s3+$0x0], $0xffff  }
0xd5: {  	v3 =	vsel vm10, v8, v3;
	v8 =	vadd.s32 $0x11, v2  }
0xd6: {  	vm11 =	vgt.f32 v9, v3;
	v4 =	vld.idx.msk [tilespmem:v4+s3+$0x0], $0xffff  }
0xd7: {  	v3 =	vsel vm11, v9, v3;
	v9 =	vadd.s32 $0x12, v2  }
0xd8: {  	vm12 =	vgt.f32 v6, v3;
	v7 =	vld.idx.msk [tilespmem:v7+s3+$0x0], $0xffff  }
0xd9: {  	v3 =	vsel vm12, v6, v3;
	v6 =	vadd.s32 $0x13, v2  }
0xda: {  	vm13 =	vgt.f32 v5, v3;
	v8 =	vld.idx.msk [tilespmem:v8+s3+$0x0], $0xffff  }
0xdb: {  	v3 =	vsel vm13, v5, v3;
	v5 =	vadd.s32 $0x14, v2  }
0xdc: {  	vm14 =	vgt.f32 v4, v3;
	v9 =	vld.idx.msk [tilespmem:v9+s3+$0x0], $0xffff  }
0xdd: {  	v3 =	vsel vm14, v4, v3;
	v4 =	vadd.s32 $0x15, v2  }
0xde: {  	vm15 =	vgt.f32 v7, v3;
	v6 =	vld.idx.msk [tilespmem:v6+s3+$0x0], $0xffff  }
0xdf: {  	v10 =	vsel vm0, $0x1, v1;
	v3 =	vsel vm15, v7, v3;
	v7 =	vadd.s32 $0x16, v2  }
0xe0: {  	v10 =	vsel vm1, $0x2, v10;
	vm0 =	vgt.f32 v8, v3;
	v5 =	vld.idx.msk [tilespmem:v5+s3+$0x0], $0xffff  }
0xe1: {  	v10 =	vsel vm2, $0x3, v10;
	v3 =	vsel vm0, v8, v3;
	v8 =	vadd.s32 $0x17, v2  }
0xe2: {  	v10 =	vsel vm3, $0x4, v10;
	vm1 =	vgt.f32 v9, v3;
	v4 =	vld.idx.msk [tilespmem:v4+s3+$0x0], $0xffff  }
0xe3: {  	v10 =	vsel vm4, $0x5, v10;
	v3 =	vsel vm1, v9, v3;
	v9 =	vadd.s32 $0x18, v2  }
0xe4: {  	v10 =	vsel vm5, $0x6, v10;
	vm2 =	vgt.f32 v6, v3;
	v7 =	vld.idx.msk [tilespmem:v7+s3+$0x0], $0xffff  }
0xe5: {  	v10 =	vsel vm6, $0x7, v10;
	v3 =	vsel vm2, v6, v3;
	v6 =	vadd.s32 $0x19, v2  }
0xe6: {  	v10 =	vsel vm7, $0x8, v10;
	vm3 =	vgt.f32 v5, v3;
	v8 =	vld.idx.msk [tilespmem:v8+s3+$0x0], $0xffff  }
0xe7: {  	v10 =	vsel vm8, $0x9, v10;
	v3 =	vsel vm3, v5, v3;
	v5 =	vadd.s32 $0x1A, v2  }
0xe8: {  	v10 =	vsel vm9, $0xA, v10;
	vm4 =	vgt.f32 v4, v3;
	v9 =	vld.idx.msk [tilespmem:v9+s3+$0x0], $0xffff  }
0xe9: {  	v10 =	vsel vm10, $0xB, v10;
	v3 =	vsel vm4, v4, v3;
	v4 =	vadd.s32 $0x1B, v2  }
0xea: {  	v11 =	vadd.s32 $0x20, v2;
	v10 =	vsel vm11, $0xC, v10;
	vm5 =	vgt.f32 v7, v3;
	v6 =	vld.idx.msk [tilespmem:v6+s3+$0x0], $0xffff  }
0xeb: {  	v10 =	vsel vm12, $0xD, v10;
	v3 =	vsel vm5, v7, v3;
	v7 =	vadd.s32 $0x1C, v2  }
0xec: {  	v10 =	vsel vm13, $0xE, v10;
	vm6 =	vgt.f32 v8, v3;
	v5 =	vld.idx.msk [tilespmem:v5+s3+$0x0], $0xffff  }
0xed: {  	v10 =	vsel vm14, $0xF, v10;
	v3 =	vsel vm6, v8, v3;
	v8 =	vadd.s32 $0x1D, v2  }
0xee: {  	v10 =	vsel vm15, $0x10, v10;
	vm7 =	vgt.f32 v9, v3;
	v4 =	vld.idx.msk [tilespmem:v4+s3+$0x0], $0xffff  }
0xef: {  	v10 =	vsel vm0, $0x11, v10;
	v3 =	vsel vm7, v9, v3;
	v9 =	vadd.s32 $0x1E, v2;
	v11 =	vld.idx.msk [tilespmem:v11+s3+$0x0], $0xffff  }
0xf0: {  	v10 =	vsel vm1, $0x12, v10;
	vm0 =	vgt.f32 v6, v3;
	v7 =	vld.idx.msk [tilespmem:v7+s3+$0x0], $0xffff  }
0xf1: {  	v10 =	vsel vm2, $0x13, v10;
	v3 =	vsel vm0, v6, v3;
	v6 =	vadd.s32 $0x1F, v2  }
0xf2: {  	v2 =	vsel vm3, $0x14, v10;
	vm1 =	vgt.f32 v5, v3;
	v8 =	vld.idx.msk [tilespmem:v8+s3+$0x0], $0xffff  }
0xf3: {  	v2 =	vsel vm4, $0x15, v2;
	v3 =	vsel vm1, v5, v3  }
0xf4: {  	v2 =	vsel vm5, $0x16, v2;
	vm2 =	vgt.f32 v4, v3;
	v5 =	vld.idx.msk [tilespmem:v9+s3+$0x0], $0xffff  }
0xf5: {  	v9 =	vsel vm6, $0x17, v2;
	v3 =	vsel vm2, v4, v3;
	v4 =	vmul.f32 $8.000000000e+00, v11  }
0xf6: {  	v2 =	vor.u32 s22, v0;
	v9 =	vsel vm7, $0x18, v9;
	vm3 =	vgt.f32 v7, v3;
	v6 =	vld.idx.msk [tilespmem:v6+s3+$0x0], $0xffff  }
0xf7: {  	v9 =	vsel vm0, $0x19, v9;
	v7 =	vsel vm3, v7, v3;
	v3 =	vtrunc.f32 v4  }
.Ltmp0:
0xf8: {  	v4 =	vsel vm1, $0x1A, v9;
	vm0 =	vgt.f32 v8, v7;
	v9 =	vcvt.f32.s32 v3;
	(pc) =	sbr.rel @p0 .LBB2_3-.Ltmp0, $4  }
0xf9: {  	v3 =	vmul.u32 $0x147B, v2;
	v4 =	vsel vm2, $0x1B, v4;
	v7 =	vsel vm0, v8, v7  }
0xfa: {  	v4 =	vsel vm3, $0x1C, v4;
	vm1 =	vgt.f32 v5, v7;
	vm2 =	vgt.s32 v9, $0x0  }
0xfb: {  	v4 =	vsel vm0, $0x1D, v4;
	v5 =	vsel vm1, v5, v7;
	v7 =	vnsel vm2, $0x0, v9  }
0xfc: {  	s22 =	sadd.s32 $0x10, s22;
	v4 =	vsel vm1, $0x1E, v4;
	vm0 =	vgt.f32 v6, v5;
	v5 =	vmin.u32 v7, $0x7  }
0xfd: {  	v4 =	vsel vm0, $0x1F, v4;
	v5 =	vshll.u32 v5, $0x5;
	v3 =	vshrl.u32 v3, $0x12  }
0xfe: {  	v4 =	vadd.s32 v5, v4;
	v5 =	vmul.u32 $0xFFFFFFCE, v3;
	_ =	sdelay $0x1  }
0xff: {  	v2 =	vadd.s32 v2, v5  }
0x100: {  	v3 =	vmul.u32 $0x7D0, v3;
	v2 =	vmul.u32 $0x28, v2;
	_ =	sdelay $0x1  }
0x101: {  	v4 =	vld.idx.msk [tilespmem:v4+s13+$0x0], $0xffff;
	v2 =	vadd.s32 v3, v2  }
0x102: {  	v3 =	vor.u32 $0x1, v2;
	_ =	sdelay $0x2  }
0x103: {  	s22 =	sadd.s32 $0x10, s21;
	v5 =	vor.u32 $0x2, v2  }
0x104: {  	[tilespmem:s22+$0x0] =	vst v4  }
0x105: {  	v4 =	vor.u32 $0x3, v2;
	v3 =	vld.idx.msk [tilespmem:v3+s3+$0x0], $0xffff  }
0x106: {  	v6 =	vld.idx.msk [tilespmem:v2+s3+$0x0], $0xffff  }
0x107: {  	v7 =	vor.u32 $0x4, v2  }
0x108: {  	v5 =	vld.idx.msk [tilespmem:v5+s3+$0x0], $0xffff  }
0x109: {  	v8 =	vor.u32 $0x5, v2  }
0x10a: {  	v4 =	vld.idx.msk [tilespmem:v4+s3+$0x0], $0xffff  }
0x10b: {  	v9 =	vor.u32 $0x6, v2;
	vm0 =	vgt.f32 v3, v6  }
0x10c: {  	v7 =	vld.idx.msk [tilespmem:v7+s3+$0x0], $0xffff;
	v3 =	vsel vm0, v3, v6  }
0x10d: {  	v6 =	vor.u32 $0x7, v2;
	vm1 =	vgt.f32 v5, v3  }
0x10e: {  	v8 =	vld.idx.msk [tilespmem:v8+s3+$0x0], $0xffff;
	v3 =	vsel vm1, v5, v3  }
0x10f: {  	v5 =	vadd.s32 $0x8, v2;
	vm2 =	vgt.f32 v4, v3  }
0x110: {  	v9 =	vld.idx.msk [tilespmem:v9+s3+$0x0], $0xffff;
	v3 =	vsel vm2, v4, v3  }
0x111: {  	v4 =	vadd.s32 $0x9, v2;
	vm3 =	vgt.f32 v7, v3  }
0x112: {  	v6 =	vld.idx.msk [tilespmem:v6+s3+$0x0], $0xffff;
	v3 =	vsel vm3, v7, v3  }
0x113: {  	v7 =	vadd.s32 $0xA, v2;
	vm4 =	vgt.f32 v8, v3  }
0x114: {  	v5 =	vld.idx.msk [tilespmem:v5+s3+$0x0], $0xffff;
	v3 =	vsel vm4, v8, v3  }
0x115: {  	v28 =	vadd.s32 $0xB, v2;
	vm5 =	vgt.f32 v9, v3  }
0x116: {  	v4 =	vld.idx.msk [tilespmem:v4+s3+$0x0], $0xffff;
	v3 =	vsel vm5, v9, v3  }
0x117: {  	v29 =	vadd.s32 $0xC, v2;
	vm6 =	vgt.f32 v6, v3  }
0x118: {  	v7 =	vld.idx.msk [tilespmem:v7+s3+$0x0], $0xffff;
	v3 =	vsel vm6, v6, v3  }
0x119: {  	v6 =	vadd.s32 $0xD, v2;
	vm7 =	vgt.f32 v5, v3  }
0x11a: {  	v8 =	vld.idx.msk [tilespmem:v28+s3+$0x0], $0xffff;
	v3 =	vsel vm7, v5, v3  }
0x11b: {  	v5 =	vadd.s32 $0xE, v2;
	vm8 =	vgt.f32 v4, v3  }
0x11c: {  	v9 =	vld.idx.msk [tilespmem:v29+s3+$0x0], $0xffff;
	v3 =	vsel vm8, v4, v3  }
0x11d: {  	v4 =	vadd.s32 $0xF, v2;
	vm9 =	vgt.f32 v7, v3  }
0x11e: {  	v6 =	vld.idx.msk [tilespmem:v6+s3+$0x0], $0xffff;
	v3 =	vsel vm9, v7, v3  }
0x11f: {  	v7 =	vadd.s32 $0x10, v2;
	vm10 =	vgt.f32 v8, v3  }
0x120: {  	v5 =	vld.idx.msk [tilespmem:v5+s3+$0x0], $0xffff;
	v3 =	vsel vm10, v8, v3  }
0x121: {  	v30 =	vadd.s32 $0x11, v2;
	vm11 =	vgt.f32 v9, v3  }
0x122: {  	v4 =	vld.idx.msk [tilespmem:v4+s3+$0x0], $0xffff;
	v3 =	vsel vm11, v9, v3  }
0x123: {  	v31 =	vadd.s32 $0x12, v2;
	vm12 =	vgt.f32 v6, v3  }
0x124: {  	v7 =	vld.idx.msk [tilespmem:v7+s3+$0x0], $0xffff;
	v3 =	vsel vm12, v6, v3  }
0x125: {  	v6 =	vadd.s32 $0x13, v2;
	vm13 =	vgt.f32 v5, v3  }
0x126: {  	v8 =	vld.idx.msk [tilespmem:v30+s3+$0x0], $0xffff;
	v3 =	vsel vm13, v5, v3  }
0x127: {  	v5 =	vadd.s32 $0x14, v2;
	vm14 =	vgt.f32 v4, v3  }
0x128: {  	v9 =	vld.idx.msk [tilespmem:v31+s3+$0x0], $0xffff;
	v3 =	vsel vm14, v4, v3  }
0x129: {  	v4 =	vadd.s32 $0x15, v2;
	vm15 =	vgt.f32 v7, v3  }
0x12a: {  	v10 =	vsel vm0, $0x1, v1;
	v6 =	vld.idx.msk [tilespmem:v6+s3+$0x0], $0xffff;
	v3 =	vsel vm15, v7, v3  }
0x12b: {  	v10 =	vsel vm1, $0x2, v10;
	v7 =	vadd.s32 $0x16, v2;
	vm0 =	vgt.f32 v8, v3  }
0x12c: {  	v10 =	vsel vm2, $0x3, v10;
	v5 =	vld.idx.msk [tilespmem:v5+s3+$0x0], $0xffff;
	v3 =	vsel vm0, v8, v3  }
0x12d: {  	v32 =	vadd.s32 $0x17, v2;
	v10 =	vsel vm3, $0x4, v10;
	vm1 =	vgt.f32 v9, v3  }
0x12e: {  	v10 =	vsel vm4, $0x5, v10;
	v4 =	vld.idx.msk [tilespmem:v4+s3+$0x0], $0xffff;
	v3 =	vsel vm1, v9, v3  }
0x12f: {  	v33 =	vadd.s32 $0x18, v2;
	v10 =	vsel vm5, $0x6, v10;
	vm2 =	vgt.f32 v6, v3  }
0x130: {  	v10 =	vsel vm6, $0x7, v10;
	v7 =	vld.idx.msk [tilespmem:v7+s3+$0x0], $0xffff;
	v3 =	vsel vm2, v6, v3  }
0x131: {  	v10 =	vsel vm7, $0x8, v10;
	v6 =	vadd.s32 $0x19, v2;
	vm3 =	vgt.f32 v5, v3  }
0x132: {  	v10 =	vsel vm8, $0x9, v10;
	v8 =	vld.idx.msk [tilespmem:v32+s3+$0x0], $0xffff;
	v3 =	vsel vm3, v5, v3  }
0x133: {  	v10 =	vsel vm9, $0xA, v10;
	v5 =	vadd.s32 $0x1A, v2;
	vm9 =	vgt.f32 v4, v3  }
0x134: {  	v10 =	vsel vm10, $0xB, v10;
	v9 =	vld.idx.msk [tilespmem:v33+s3+$0x0], $0xffff;
	v3 =	vsel vm9, v4, v3  }
0x135: {  	v10 =	vsel vm11, $0xC, v10;
	v4 =	vadd.s32 $0x1B, v2;
	vm11 =	vgt.f32 v7, v3  }
0x136: {  	v11 =	vadd.s32 $0x20, v2;
	v10 =	vsel vm12, $0xD, v10;
	v6 =	vld.idx.msk [tilespmem:v6+s3+$0x0], $0xffff;
	v3 =	vsel vm11, v7, v3  }
0x137: {  	v10 =	vsel vm13, $0xE, v10;
	v7 =	vadd.s32 $0x1C, v2;
	vm13 =	vgt.f32 v8, v3  }
0x138: {  	v10 =	vsel vm14, $0xF, v10;
	v5 =	vld.idx.msk [tilespmem:v5+s3+$0x0], $0xffff;
	v3 =	vsel vm13, v8, v3  }
0x139: {  	v34 =	vadd.s32 $0x1D, v2;
	v10 =	vsel vm15, $0x10, v10;
	vm15 =	vgt.f32 v9, v3  }
0x13a: {  	v10 =	vsel vm0, $0x11, v10;
	v4 =	vld.idx.msk [tilespmem:v4+s3+$0x0], $0xffff;
	v3 =	vsel vm15, v9, v3  }
0x13b: {  	v35 =	vadd.s32 $0x1E, v2;
	v11 =	vld.idx.msk [tilespmem:v11+s3+$0x0], $0xffff;
	v10 =	vsel vm1, $0x12, v10;
	vm0 =	vgt.f32 v6, v3  }
0x13c: {  	v10 =	vsel vm2, $0x13, v10;
	v7 =	vld.idx.msk [tilespmem:v7+s3+$0x0], $0xffff;
	v3 =	vsel vm0, v6, v3  }
0x13d: {  	v2 =	vadd.s32 $0x1F, v2;
	v6 =	vsel vm3, $0x14, v10;
	vm1 =	vgt.f32 v5, v3  }
0x13e: {  	v8 =	vld.idx.msk [tilespmem:v34+s3+$0x0], $0xffff;
	v6 =	vsel vm9, $0x15, v6;
	v3 =	vsel vm1, v5, v3  }
0x13f: {  	v5 =	vsel vm11, $0x16, v6;
	vm2 =	vgt.f32 v4, v3  }
0x140: {  	v6 =	vld.idx.msk [tilespmem:v35+s3+$0x0], $0xffff;
	v5 =	vsel vm13, $0x17, v5;
	v3 =	vsel vm2, v4, v3;
	v4 =	vmul.f32 $8.000000000e+00, v11  }
0x141: {  	v5 =	vsel vm15, $0x18, v5;
	vm3 =	vgt.f32 v7, v3  }
0x142: {  	v2 =	vld.idx.msk [tilespmem:v2+s3+$0x0], $0xffff;
	v5 =	vsel vm0, $0x19, v5;
	v3 =	vsel vm3, v7, v3;
	v4 =	vtrunc.f32 v4  }
0x143: {  	v5 =	vsel vm1, $0x1A, v5;
	vm0 =	vgt.f32 v8, v3;
	v4 =	vcvt.f32.s32 v4  }
0x144: {  	v5 =	vsel vm2, $0x1B, v5;
	v3 =	vsel vm0, v8, v3  }
0x145: {  	v5 =	vsel vm3, $0x1C, v5;
	vm1 =	vgt.f32 v6, v3;
	vm2 =	vgt.s32 v4, $0x0  }
0x146: {  	v5 =	vsel vm0, $0x1D, v5;
	v3 =	vsel vm1, v6, v3;
	v4 =	vnsel vm2, $0x0, v4  }
0x147: {  	v5 =	vsel vm1, $0x1E, v5;
	vm0 =	vgt.f32 v2, v3;
	v2 =	vmin.u32 v4, $0x7  }
0x148: {  	v3 =	vsel vm0, $0x1F, v5;
	v2 =	vshll.u32 v2, $0x5  }
0x149: {  	v2 =	vadd.s32 v2, v3;
	_ =	sdelay $0x4  }
0x14a: {  	v2 =	vld.idx.msk [tilespmem:v2+s13+$0x0], $0xffff  }
0x14b: {  	s21 =	smul.u32 $0x320, s20  }
0x14c: {  	s24 =	simm.s32 $0x0  }
0x14d: {  	s23 =	sadd.s32 s6, s21;
	v3 =	vor.u32 s24, v0  }
0x14e: {  	s23 =	sshrl.u32 s23, $0x3;
	s22 =	sadd.s32 $0x10, s22;
	v4 =	vmul.u32 $0x147B, v3  }
0x14f: {  	s25 =	sadd.s32 s2, s23;
	s23 =	simm.s32 $0x7E00;
	[tilespmem:s22+$0x0] =	vst v2;
	s22 =	sshll.u32 s20, $0x1  }
0x150: {  	v2 =	vshrl.u32 v4, $0x12;
	[hbm4b:s25+s24] =	stream.linear.scatter [tilespmem:s23], [sflag:$0x3], $0x190, $0x38;
	[tilespmem:$0x7F90] =	vst v63  }
0x151: {  	v4 =	vmul.u32 $0xFFFFFFCE, v2;
	s29 =	smin.u32 s22, $0x3D  }
0x152: {  	s25 =	sshll.u32 s29, $0x3  }
0x153: {  	v3 =	vadd.s32 v3, v4;
	s25 =	sadd.s32 s25, s9  }
0x154: {  	v2 =	vmul.u32 $0x7D0, v2;
	_ =	swait.ge [sflag:s14], $0x190;
	v3 =	vmul.u32 $0x28, v3;
	s25 =	smul.u32 $0xFA, s25  }
0x155: {  	[sflag:s14] =	ssyncset.done $0x0  }
0x156: {  	[sflag:s14] =	ssyncadd.s32 $0xFFFFFE70;
	v2 =	vadd.s32 v2, v3;
	s25 =	sadd.s32 s4, s25  }
0x157: {  	v3 =	vor.u32 $0x1, v2;
	[tilespmem:s24], [sflag:$0x1] =	stream.linear.gather [hbm4b:s25+s24], $0x3E80, $0x38;
	[tilespmem:$0x7F90] =	vst v63  }
0x158: {  	_ =	swait.ge [sflag:s17], $0x3E80  }
0x159: {  	v4 =	vor.u32 $0x2, v2;
	[sflag:s17] =	ssyncset.done $0x0  }
0x15a: {  	[sflag:s17] =	ssyncadd.s32 $0xFFFFC180  }
0x15b: {  	v5 =	vor.u32 $0x3, v2;
	v6 =	vld.idx.msk [tilespmem:v2+s15+$0x0], $0xffff  }
0x15c: {  	v3 =	vld.idx.msk [tilespmem:v3+s15+$0x0], $0xffff  }
0x15d: {  	v7 =	vor.u32 $0x4, v2  }
0x15e: {  	v4 =	vld.idx.msk [tilespmem:v4+s15+$0x0], $0xffff  }
0x15f: {  	v36 =	vor.u32 $0x5, v2  }
0x160: {  	v5 =	vld.idx.msk [tilespmem:v5+s15+$0x0], $0xffff  }
0x161: {  	v37 =	vor.u32 $0x6, v2;
	vm0 =	vgt.f32 v3, v6  }
0x162: {  	v7 =	vld.idx.msk [tilespmem:v7+s15+$0x0], $0xffff;
	v3 =	vsel vm0, v3, v6  }
0x163: {  	v6 =	vor.u32 $0x7, v2;
	vm1 =	vgt.f32 v4, v3  }
0x164: {  	v8 =	vld.idx.msk [tilespmem:v36+s15+$0x0], $0xffff;
	v3 =	vsel vm1, v4, v3  }
0x165: {  	v4 =	vadd.s32 $0x8, v2;
	vm2 =	vgt.f32 v5, v3  }
0x166: {  	v9 =	vld.idx.msk [tilespmem:v37+s15+$0x0], $0xffff;
	v3 =	vsel vm2, v5, v3  }
0x167: {  	v5 =	vadd.s32 $0x9, v2;
	vm3 =	vgt.f32 v7, v3  }
0x168: {  	v6 =	vld.idx.msk [tilespmem:v6+s15+$0x0], $0xffff;
	v3 =	vsel vm3, v7, v3  }
0x169: {  	v7 =	vadd.s32 $0xA, v2;
	vm4 =	vgt.f32 v8, v3  }
0x16a: {  	v4 =	vld.idx.msk [tilespmem:v4+s15+$0x0], $0xffff;
	v3 =	vsel vm4, v8, v3  }
0x16b: {  	v38 =	vadd.s32 $0xB, v2;
	vm5 =	vgt.f32 v9, v3  }
0x16c: {  	v5 =	vld.idx.msk [tilespmem:v5+s15+$0x0], $0xffff;
	v3 =	vsel vm5, v9, v3  }
0x16d: {  	v39 =	vadd.s32 $0xC, v2;
	vm6 =	vgt.f32 v6, v3  }
0x16e: {  	v7 =	vld.idx.msk [tilespmem:v7+s15+$0x0], $0xffff;
	v3 =	vsel vm6, v6, v3  }
0x16f: {  	v6 =	vadd.s32 $0xD, v2;
	vm7 =	vgt.f32 v4, v3  }
0x170: {  	v8 =	vld.idx.msk [tilespmem:v38+s15+$0x0], $0xffff;
	v3 =	vsel vm7, v4, v3  }
0x171: {  	v4 =	vadd.s32 $0xE, v2;
	vm8 =	vgt.f32 v5, v3  }
0x172: {  	v9 =	vld.idx.msk [tilespmem:v39+s15+$0x0], $0xffff;
	v3 =	vsel vm8, v5, v3  }
0x173: {  	v5 =	vadd.s32 $0xF, v2;
	vm9 =	vgt.f32 v7, v3  }
0x174: {  	v6 =	vld.idx.msk [tilespmem:v6+s15+$0x0], $0xffff;
	v3 =	vsel vm9, v7, v3  }
0x175: {  	v7 =	vadd.s32 $0x10, v2;
	vm10 =	vgt.f32 v8, v3  }
0x176: {  	v4 =	vld.idx.msk [tilespmem:v4+s15+$0x0], $0xffff;
	v3 =	vsel vm10, v8, v3  }
0x177: {  	v40 =	vadd.s32 $0x11, v2;
	vm11 =	vgt.f32 v9, v3  }
0x178: {  	v5 =	vld.idx.msk [tilespmem:v5+s15+$0x0], $0xffff;
	v3 =	vsel vm11, v9, v3  }
0x179: {  	v41 =	vadd.s32 $0x12, v2;
	vm12 =	vgt.f32 v6, v3  }
0x17a: {  	v7 =	vld.idx.msk [tilespmem:v7+s15+$0x0], $0xffff;
	v3 =	vsel vm12, v6, v3  }
0x17b: {  	v6 =	vadd.s32 $0x13, v2;
	vm13 =	vgt.f32 v4, v3  }
0x17c: {  	v8 =	vld.idx.msk [tilespmem:v40+s15+$0x0], $0xffff;
	v3 =	vsel vm13, v4, v3  }
0x17d: {  	v4 =	vadd.s32 $0x14, v2;
	vm14 =	vgt.f32 v5, v3  }
0x17e: {  	v9 =	vld.idx.msk [tilespmem:v41+s15+$0x0], $0xffff;
	v3 =	vsel vm14, v5, v3  }
0x17f: {  	v5 =	vadd.s32 $0x15, v2;
	vm15 =	vgt.f32 v7, v3  }
0x180: {  	v42 =	vsel vm0, $0x1, v1;
	v6 =	vld.idx.msk [tilespmem:v6+s15+$0x0], $0xffff;
	v3 =	vsel vm15, v7, v3  }
0x181: {  	v10 =	vsel vm1, $0x2, v42;
	v7 =	vadd.s32 $0x16, v2;
	vm0 =	vgt.f32 v8, v3  }
0x182: {  	v10 =	vsel vm2, $0x3, v10;
	v4 =	vld.idx.msk [tilespmem:v4+s15+$0x0], $0xffff;
	v3 =	vsel vm0, v8, v3  }
0x183: {  	v43 =	vadd.s32 $0x17, v2;
	v10 =	vsel vm3, $0x4, v10;
	vm1 =	vgt.f32 v9, v3  }
0x184: {  	v10 =	vsel vm4, $0x5, v10;
	v5 =	vld.idx.msk [tilespmem:v5+s15+$0x0], $0xffff;
	v3 =	vsel vm1, v9, v3  }
0x185: {  	v44 =	vadd.s32 $0x18, v2;
	v10 =	vsel vm5, $0x6, v10;
	vm2 =	vgt.f32 v6, v3  }
0x186: {  	v10 =	vsel vm6, $0x7, v10;
	v7 =	vld.idx.msk [tilespmem:v7+s15+$0x0], $0xffff;
	v3 =	vsel vm2, v6, v3  }
0x187: {  	v10 =	vsel vm7, $0x8, v10;
	v6 =	vadd.s32 $0x19, v2;
	vm3 =	vgt.f32 v4, v3  }
0x188: {  	v10 =	vsel vm8, $0x9, v10;
	v8 =	vld.idx.msk [tilespmem:v43+s15+$0x0], $0xffff;
	v3 =	vsel vm3, v4, v3  }
0x189: {  	v10 =	vsel vm9, $0xA, v10;
	v4 =	vadd.s32 $0x1A, v2;
	vm9 =	vgt.f32 v5, v3  }
0x18a: {  	v10 =	vsel vm10, $0xB, v10;
	v9 =	vld.idx.msk [tilespmem:v44+s15+$0x0], $0xffff;
	v3 =	vsel vm9, v5, v3  }
0x18b: {  	v10 =	vsel vm11, $0xC, v10;
	v5 =	vadd.s32 $0x1B, v2;
	vm11 =	vgt.f32 v7, v3  }
0x18c: {  	v45 =	vadd.s32 $0x20, v2;
	v10 =	vsel vm12, $0xD, v10;
	v6 =	vld.idx.msk [tilespmem:v6+s15+$0x0], $0xffff;
	v3 =	vsel vm11, v7, v3  }
0x18d: {  	v10 =	vsel vm13, $0xE, v10;
	v7 =	vadd.s32 $0x1C, v2;
	vm13 =	vgt.f32 v8, v3  }
0x18e: {  	v10 =	vsel vm14, $0xF, v10;
	v4 =	vld.idx.msk [tilespmem:v4+s15+$0x0], $0xffff;
	v3 =	vsel vm13, v8, v3  }
0x18f: {  	v46 =	vadd.s32 $0x1D, v2;
	v10 =	vsel vm15, $0x10, v10;
	vm15 =	vgt.f32 v9, v3  }
0x190: {  	v10 =	vsel vm0, $0x11, v10;
	v5 =	vld.idx.msk [tilespmem:v5+s15+$0x0], $0xffff;
	v3 =	vsel vm15, v9, v3  }
0x191: {  	v47 =	vadd.s32 $0x1E, v2;
	v11 =	vld.idx.msk [tilespmem:v45+s15+$0x0], $0xffff;
	v10 =	vsel vm1, $0x12, v10;
	vm0 =	vgt.f32 v6, v3  }
0x192: {  	v10 =	vsel vm2, $0x13, v10;
	v7 =	vld.idx.msk [tilespmem:v7+s15+$0x0], $0xffff;
	v3 =	vsel vm0, v6, v3  }
0x193: {  	v2 =	vadd.s32 $0x1F, v2;
	v6 =	vsel vm3, $0x14, v10;
	vm1 =	vgt.f32 v4, v3  }
0x194: {  	v8 =	vld.idx.msk [tilespmem:v46+s15+$0x0], $0xffff;
	v6 =	vsel vm9, $0x15, v6;
	v3 =	vsel vm1, v4, v3  }
0x195: {  	v4 =	vsel vm11, $0x16, v6;
	vm2 =	vgt.f32 v5, v3  }
0x196: {  	s30 =	simm.s32 $0x10;
	v6 =	vld.idx.msk [tilespmem:v47+s15+$0x0], $0xffff;
	v4 =	vsel vm13, $0x17, v4;
	v3 =	vsel vm2, v5, v3;
	v5 =	vmul.f32 $8.000000000e+00, v11  }
0x197: {  	v48 =	vor.u32 s30, v0;
	v4 =	vsel vm15, $0x18, v4;
	vm3 =	vgt.f32 v7, v3  }
0x198: {  	v2 =	vld.idx.msk [tilespmem:v2+s15+$0x0], $0xffff;
	v4 =	vsel vm0, $0x19, v4;
	v3 =	vsel vm3, v7, v3;
	v5 =	vtrunc.f32 v5  }
0x199: {  	v4 =	vsel vm1, $0x1A, v4;
	vm0 =	vgt.f32 v8, v3;
	v5 =	vcvt.f32.s32 v5  }
0x19a: {  	v7 =	vmul.u32 $0x147B, v48;
	v4 =	vsel vm2, $0x1B, v4;
	v3 =	vsel vm0, v8, v3  }
0x19b: {  	v4 =	vsel vm3, $0x1C, v4;
	vm1 =	vgt.f32 v6, v3;
	vm2 =	vgt.s32 v5, $0x0  }
0x19c: {  	v4 =	vsel vm0, $0x1D, v4;
	v3 =	vsel vm1, v6, v3;
	v5 =	vnsel vm2, $0x0, v5  }
0x19d: {  	v4 =	vsel vm1, $0x1E, v4;
	vm0 =	vgt.f32 v2, v3;
	v2 =	vmin.u32 v5, $0x7  }
0x19e: {  	v3 =	vsel vm0, $0x1F, v4;
	v2 =	vshll.u32 v2, $0x5;
	v4 =	vshrl.u32 v7, $0x12  }
0x19f: {  	v2 =	vadd.s32 v2, v3;
	v3 =	vmul.u32 $0xFFFFFFCE, v4;
	_ =	sdelay $0x1  }
0x1a0: {  	v3 =	vadd.s32 v48, v3  }
0x1a1: {  	v4 =	vmul.u32 $0x7D0, v4;
	v3 =	vmul.u32 $0x28, v3;
	_ =	sdelay $0x1  }
0x1a2: {  	v5 =	vld.idx.msk [tilespmem:v2+s13+$0x0], $0xffff;
	v2 =	vadd.s32 v4, v3  }
0x1a3: {  	v3 =	vor.u32 $0x1, v2;
	_ =	sdelay $0x2  }
0x1a4: {  	v4 =	vor.u32 $0x2, v2  }
0x1a5: {  	[tilespmem:s23+$0x0] =	vst v5  }
0x1a6: {  	v5 =	vor.u32 $0x3, v2;
	v3 =	vld.idx.msk [tilespmem:v3+s15+$0x0], $0xffff  }
0x1a7: {  	v6 =	vld.idx.msk [tilespmem:v2+s15+$0x0], $0xffff  }
0x1a8: {  	v7 =	vor.u32 $0x4, v2  }
0x1a9: {  	v4 =	vld.idx.msk [tilespmem:v4+s15+$0x0], $0xffff  }
0x1aa: {  	v49 =	vor.u32 $0x5, v2  }
0x1ab: {  	v5 =	vld.idx.msk [tilespmem:v5+s15+$0x0], $0xffff  }
0x1ac: {  	v50 =	vor.u32 $0x6, v2;
	vm0 =	vgt.f32 v3, v6  }
0x1ad: {  	v7 =	vld.idx.msk [tilespmem:v7+s15+$0x0], $0xffff;
	v3 =	vsel vm0, v3, v6  }
0x1ae: {  	v6 =	vor.u32 $0x7, v2;
	vm1 =	vgt.f32 v4, v3  }
0x1af: {  	v8 =	vld.idx.msk [tilespmem:v49+s15+$0x0], $0xffff;
	v3 =	vsel vm1, v4, v3  }
0x1b0: {  	v4 =	vadd.s32 $0x8, v2;
	vm2 =	vgt.f32 v5, v3  }
0x1b1: {  	v9 =	vld.idx.msk [tilespmem:v50+s15+$0x0], $0xffff;
	v3 =	vsel vm2, v5, v3  }
0x1b2: {  	v5 =	vadd.s32 $0x9, v2;
	vm3 =	vgt.f32 v7, v3  }
0x1b3: {  	v6 =	vld.idx.msk [tilespmem:v6+s15+$0x0], $0xffff;
	v3 =	vsel vm3, v7, v3  }
0x1b4: {  	v7 =	vadd.s32 $0xA, v2;
	vm4 =	vgt.f32 v8, v3  }
0x1b5: {  	v4 =	vld.idx.msk [tilespmem:v4+s15+$0x0], $0xffff;
	v3 =	vsel vm4, v8, v3  }
0x1b6: {  	v51 =	vadd.s32 $0xB, v2;
	vm5 =	vgt.f32 v9, v3  }
0x1b7: {  	v5 =	vld.idx.msk [tilespmem:v5+s15+$0x0], $0xffff;
	v3 =	vsel vm5, v9, v3  }
0x1b8: {  	v52 =	vadd.s32 $0xC, v2;
	vm6 =	vgt.f32 v6, v3  }
0x1b9: {  	v7 =	vld.idx.msk [tilespmem:v7+s15+$0x0], $0xffff;
	v3 =	vsel vm6, v6, v3  }
0x1ba: {  	v6 =	vadd.s32 $0xD, v2;
	vm7 =	vgt.f32 v4, v3  }
0x1bb: {  	v8 =	vld.idx.msk [tilespmem:v51+s15+$0x0], $0xffff;
	v3 =	vsel vm7, v4, v3  }
0x1bc: {  	v4 =	vadd.s32 $0xE, v2;
	vm8 =	vgt.f32 v5, v3  }
0x1bd: {  	v9 =	vld.idx.msk [tilespmem:v52+s15+$0x0], $0xffff;
	v3 =	vsel vm8, v5, v3  }
0x1be: {  	v5 =	vadd.s32 $0xF, v2;
	vm9 =	vgt.f32 v7, v3  }
0x1bf: {  	v6 =	vld.idx.msk [tilespmem:v6+s15+$0x0], $0xffff;
	v3 =	vsel vm9, v7, v3  }
0x1c0: {  	v7 =	vadd.s32 $0x10, v2;
	vm10 =	vgt.f32 v8, v3  }
0x1c1: {  	v4 =	vld.idx.msk [tilespmem:v4+s15+$0x0], $0xffff;
	v3 =	vsel vm10, v8, v3  }
0x1c2: {  	v53 =	vadd.s32 $0x11, v2;
	vm11 =	vgt.f32 v9, v3  }
0x1c3: {  	v5 =	vld.idx.msk [tilespmem:v5+s15+$0x0], $0xffff;
	v3 =	vsel vm11, v9, v3  }
0x1c4: {  	v54 =	vadd.s32 $0x12, v2;
	vm12 =	vgt.f32 v6, v3  }
0x1c5: {  	v7 =	vld.idx.msk [tilespmem:v7+s15+$0x0], $0xffff;
	v3 =	vsel vm12, v6, v3  }
0x1c6: {  	v6 =	vadd.s32 $0x13, v2;
	vm13 =	vgt.f32 v4, v3  }
0x1c7: {  	v8 =	vld.idx.msk [tilespmem:v53+s15+$0x0], $0xffff;
	v3 =	vsel vm13, v4, v3  }
0x1c8: {  	v4 =	vadd.s32 $0x14, v2;
	vm14 =	vgt.f32 v5, v3  }
0x1c9: {  	v9 =	vld.idx.msk [tilespmem:v54+s15+$0x0], $0xffff;
	v3 =	vsel vm14, v5, v3  }
0x1ca: {  	v5 =	vadd.s32 $0x15, v2;
	vm15 =	vgt.f32 v7, v3  }
0x1cb: {  	v55 =	vsel vm0, $0x1, v1;
	v6 =	vld.idx.msk [tilespmem:v6+s15+$0x0], $0xffff;
	v3 =	vsel vm15, v7, v3  }
0x1cc: {  	v10 =	vsel vm1, $0x2, v55;
	v7 =	vadd.s32 $0x16, v2;
	vm0 =	vgt.f32 v8, v3  }
0x1cd: {  	v10 =	vsel vm2, $0x3, v10;
	v4 =	vld.idx.msk [tilespmem:v4+s15+$0x0], $0xffff;
	v3 =	vsel vm0, v8, v3  }
0x1ce: {  	v56 =	vadd.s32 $0x17, v2;
	v10 =	vsel vm3, $0x4, v10;
	vm1 =	vgt.f32 v9, v3  }
0x1cf: {  	v10 =	vsel vm4, $0x5, v10;
	v5 =	vld.idx.msk [tilespmem:v5+s15+$0x0], $0xffff;
	v3 =	vsel vm1, v9, v3  }
0x1d0: {  	v57 =	vadd.s32 $0x18, v2;
	v10 =	vsel vm5, $0x6, v10;
	vm2 =	vgt.f32 v6, v3  }
0x1d1: {  	v10 =	vsel vm6, $0x7, v10;
	v7 =	vld.idx.msk [tilespmem:v7+s15+$0x0], $0xffff;
	v3 =	vsel vm2, v6, v3  }
0x1d2: {  	v10 =	vsel vm7, $0x8, v10;
	v6 =	vadd.s32 $0x19, v2;
	vm3 =	vgt.f32 v4, v3  }
0x1d3: {  	v10 =	vsel vm8, $0x9, v10;
	v8 =	vld.idx.msk [tilespmem:v56+s15+$0x0], $0xffff;
	v3 =	vsel vm3, v4, v3  }
0x1d4: {  	v10 =	vsel vm9, $0xA, v10;
	v4 =	vadd.s32 $0x1A, v2;
	vm9 =	vgt.f32 v5, v3  }
0x1d5: {  	v10 =	vsel vm10, $0xB, v10;
	v9 =	vld.idx.msk [tilespmem:v57+s15+$0x0], $0xffff;
	v3 =	vsel vm9, v5, v3  }
0x1d6: {  	v10 =	vsel vm11, $0xC, v10;
	v5 =	vadd.s32 $0x1B, v2;
	vm11 =	vgt.f32 v7, v3  }
0x1d7: {  	v58 =	vadd.s32 $0x20, v2;
	v10 =	vsel vm12, $0xD, v10;
	v6 =	vld.idx.msk [tilespmem:v6+s15+$0x0], $0xffff;
	v3 =	vsel vm11, v7, v3  }
0x1d8: {  	v10 =	vsel vm13, $0xE, v10;
	v7 =	vadd.s32 $0x1C, v2;
	vm13 =	vgt.f32 v8, v3  }
0x1d9: {  	v10 =	vsel vm14, $0xF, v10;
	v4 =	vld.idx.msk [tilespmem:v4+s15+$0x0], $0xffff;
	v3 =	vsel vm13, v8, v3  }
0x1da: {  	v59 =	vadd.s32 $0x1D, v2;
	v10 =	vsel vm15, $0x10, v10;
	vm15 =	vgt.f32 v9, v3  }
0x1db: {  	v10 =	vsel vm0, $0x11, v10;
	v5 =	vld.idx.msk [tilespmem:v5+s15+$0x0], $0xffff;
	v3 =	vsel vm15, v9, v3  }
0x1dc: {  	v60 =	vadd.s32 $0x1E, v2;
	v11 =	vld.idx.msk [tilespmem:v58+s15+$0x0], $0xffff;
	v10 =	vsel vm1, $0x12, v10;
	vm0 =	vgt.f32 v6, v3  }
0x1dd: {  	v10 =	vsel vm2, $0x13, v10;
	v7 =	vld.idx.msk [tilespmem:v7+s15+$0x0], $0xffff;
	v3 =	vsel vm0, v6, v3  }
0x1de: {  	v6 =	vadd.s32 $0x1F, v2;
	v2 =	vsel vm3, $0x14, v10;
	vm1 =	vgt.f32 v4, v3  }
0x1df: {  	v8 =	vld.idx.msk [tilespmem:v59+s15+$0x0], $0xffff;
	v2 =	vsel vm9, $0x15, v2;
	v3 =	vsel vm1, v4, v3  }
0x1e0: {  	v2 =	vsel vm11, $0x16, v2;
	vm2 =	vgt.f32 v5, v3  }
0x1e1: {  	s31 =	simm.s32 $0x20;
	v4 =	vld.idx.msk [tilespmem:v60+s15+$0x0], $0xffff;
	v61 =	vsel vm13, $0x17, v2;
	v3 =	vsel vm2, v5, v3;
	v5 =	vmul.f32 $8.000000000e+00, v11  }
0x1e2: {  	v2 =	vor.u32 s31, v0;
	v9 =	vsel vm15, $0x18, v61;
	vm3 =	vgt.f32 v7, v3  }
0x1e3: {  	v6 =	vld.idx.msk [tilespmem:v6+s15+$0x0], $0xffff;
	v9 =	vsel vm0, $0x19, v9;
	v7 =	vsel vm3, v7, v3;
	v3 =	vtrunc.f32 v5  }
0x1e4: {  	v5 =	vsel vm1, $0x1A, v9;
	vm0 =	vgt.f32 v8, v7;
	v62 =	vcvt.f32.s32 v3  }
0x1e5: {  	v3 =	vmul.u32 $0x147B, v2;
	v5 =	vsel vm2, $0x1B, v5;
	v7 =	vsel vm0, v8, v7  }
0x1e6: {  	v5 =	vsel vm3, $0x1C, v5;
	vm1 =	vgt.f32 v4, v7;
	vm2 =	vgt.s32 v62, $0x0  }
0x1e7: {  	v5 =	vsel vm0, $0x1D, v5;
	v7 =	vsel vm1, v4, v7;
	v63 =	vnsel vm2, $0x0, v62  }
0x1e8: {  	s24 =	simm.s32 $0x30;
	v4 =	vsel vm1, $0x1E, v5;
	vm0 =	vgt.f32 v6, v7;
	v5 =	vmin.u32 v63, $0x7  }
.LBB2_5:
0x1e9: {  	p0 =	sne.s32 s24, $0x180;
	v4 =	vsel vm0, $0x1F, v4;
	v5 =	vshll.u32 v5, $0x5  }
0x1ea: {  	v3 =	vshrl.u32 v3, $0x12;
	v4 =	vadd.s32 v5, v4  }
0x1eb: {  	v5 =	vmul.u32 $0xFFFFFFCE, v3;
	_ =	sdelay $0x1  }
0x1ec: {  	v2 =	vadd.s32 v2, v5  }
0x1ed: {  	v3 =	vmul.u32 $0x7D0, v3;
	v2 =	vmul.u32 $0x28, v2  }
0x1ee: {  	v4 =	vld.idx.msk [tilespmem:v4+s13+$0x0], $0xffff  }
0x1ef: {  	v2 =	vadd.s32 v3, v2  }
0x1f0: {  	v3 =	vor.u32 $0x1, v2;
	_ =	sdelay $0x2  }
0x1f1: {  	s23 =	sadd.s32 $0x10, s23;
	v5 =	vor.u32 $0x2, v2  }
0x1f2: {  	[tilespmem:s23+$0x0] =	vst v4  }
0x1f3: {  	v4 =	vor.u32 $0x3, v2;
	v3 =	vld.idx.msk [tilespmem:v3+s15+$0x0], $0xffff  }
0x1f4: {  	v6 =	vld.idx.msk [tilespmem:v2+s15+$0x0], $0xffff  }
0x1f5: {  	v7 =	vor.u32 $0x4, v2  }
0x1f6: {  	v5 =	vld.idx.msk [tilespmem:v5+s15+$0x0], $0xffff  }
0x1f7: {  	v8 =	vor.u32 $0x5, v2  }
0x1f8: {  	v4 =	vld.idx.msk [tilespmem:v4+s15+$0x0], $0xffff  }
0x1f9: {  	v9 =	vor.u32 $0x6, v2  }
0x1fa: {  	vm0 =	vgt.f32 v3, v6;
	v7 =	vld.idx.msk [tilespmem:v7+s15+$0x0], $0xffff  }
0x1fb: {  	v3 =	vsel vm0, v3, v6;
	v6 =	vor.u32 $0x7, v2  }
0x1fc: {  	vm1 =	vgt.f32 v5, v3;
	v8 =	vld.idx.msk [tilespmem:v8+s15+$0x0], $0xffff  }
0x1fd: {  	v3 =	vsel vm1, v5, v3;
	v5 =	vadd.s32 $0x8, v2  }
0x1fe: {  	vm2 =	vgt.f32 v4, v3;
	v9 =	vld.idx.msk [tilespmem:v9+s15+$0x0], $0xffff  }
0x1ff: {  	v3 =	vsel vm2, v4, v3;
	v4 =	vadd.s32 $0x9, v2  }
0x200: {  	vm3 =	vgt.f32 v7, v3;
	v6 =	vld.idx.msk [tilespmem:v6+s15+$0x0], $0xffff  }
0x201: {  	v3 =	vsel vm3, v7, v3;
	v7 =	vadd.s32 $0xA, v2  }
0x202: {  	vm4 =	vgt.f32 v8, v3;
	v5 =	vld.idx.msk [tilespmem:v5+s15+$0x0], $0xffff  }
0x203: {  	v3 =	vsel vm4, v8, v3;
	v8 =	vadd.s32 $0xB, v2  }
0x204: {  	vm5 =	vgt.f32 v9, v3;
	v4 =	vld.idx.msk [tilespmem:v4+s15+$0x0], $0xffff  }
0x205: {  	v3 =	vsel vm5, v9, v3;
	v9 =	vadd.s32 $0xC, v2  }
0x206: {  	vm6 =	vgt.f32 v6, v3;
	v7 =	vld.idx.msk [tilespmem:v7+s15+$0x0], $0xffff  }
0x207: {  	v3 =	vsel vm6, v6, v3;
	v6 =	vadd.s32 $0xD, v2  }
0x208: {  	vm7 =	vgt.f32 v5, v3;
	v8 =	vld.idx.msk [tilespmem:v8+s15+$0x0], $0xffff  }
0x209: {  	v3 =	vsel vm7, v5, v3;
	v5 =	vadd.s32 $0xE, v2  }
0x20a: {  	vm8 =	vgt.f32 v4, v3;
	v9 =	vld.idx.msk [tilespmem:v9+s15+$0x0], $0xffff  }
0x20b: {  	v3 =	vsel vm8, v4, v3;
	v4 =	vadd.s32 $0xF, v2  }
0x20c: {  	vm9 =	vgt.f32 v7, v3;
	v6 =	vld.idx.msk [tilespmem:v6+s15+$0x0], $0xffff  }
0x20d: {  	v3 =	vsel vm9, v7, v3;
	v7 =	vadd.s32 $0x10, v2  }
0x20e: {  	vm10 =	vgt.f32 v8, v3;
	v5 =	vld.idx.msk [tilespmem:v5+s15+$0x0], $0xffff  }
0x20f: {  	v3 =	vsel vm10, v8, v3;
	v8 =	vadd.s32 $0x11, v2  }
0x210: {  	vm11 =	vgt.f32 v9, v3;
	v4 =	vld.idx.msk [tilespmem:v4+s15+$0x0], $0xffff  }
0x211: {  	v3 =	vsel vm11, v9, v3;
	v9 =	vadd.s32 $0x12, v2  }
0x212: {  	vm12 =	vgt.f32 v6, v3;
	v7 =	vld.idx.msk [tilespmem:v7+s15+$0x0], $0xffff  }
0x213: {  	v3 =	vsel vm12, v6, v3;
	v6 =	vadd.s32 $0x13, v2  }
0x214: {  	vm13 =	vgt.f32 v5, v3;
	v8 =	vld.idx.msk [tilespmem:v8+s15+$0x0], $0xffff  }
0x215: {  	v3 =	vsel vm13, v5, v3;
	v5 =	vadd.s32 $0x14, v2  }
0x216: {  	vm14 =	vgt.f32 v4, v3;
	v9 =	vld.idx.msk [tilespmem:v9+s15+$0x0], $0xffff  }
0x217: {  	v3 =	vsel vm14, v4, v3;
	v4 =	vadd.s32 $0x15, v2  }
0x218: {  	vm15 =	vgt.f32 v7, v3;
	v6 =	vld.idx.msk [tilespmem:v6+s15+$0x0], $0xffff  }
0x219: {  	v10 =	vsel vm0, $0x1, v1;
	v3 =	vsel vm15, v7, v3;
	v7 =	vadd.s32 $0x16, v2  }
0x21a: {  	v10 =	vsel vm1, $0x2, v10;
	vm0 =	vgt.f32 v8, v3;
	v5 =	vld.idx.msk [tilespmem:v5+s15+$0x0], $0xffff  }
0x21b: {  	v10 =	vsel vm2, $0x3, v10;
	v3 =	vsel vm0, v8, v3;
	v8 =	vadd.s32 $0x17, v2  }
0x21c: {  	v10 =	vsel vm3, $0x4, v10;
	vm1 =	vgt.f32 v9, v3;
	v4 =	vld.idx.msk [tilespmem:v4+s15+$0x0], $0xffff  }
0x21d: {  	v10 =	vsel vm4, $0x5, v10;
	v3 =	vsel vm1, v9, v3;
	v9 =	vadd.s32 $0x18, v2  }
0x21e: {  	v10 =	vsel vm5, $0x6, v10;
	vm2 =	vgt.f32 v6, v3;
	v7 =	vld.idx.msk [tilespmem:v7+s15+$0x0], $0xffff  }
0x21f: {  	v10 =	vsel vm6, $0x7, v10;
	v3 =	vsel vm2, v6, v3;
	v6 =	vadd.s32 $0x19, v2  }
0x220: {  	v10 =	vsel vm7, $0x8, v10;
	vm3 =	vgt.f32 v5, v3;
	v8 =	vld.idx.msk [tilespmem:v8+s15+$0x0], $0xffff  }
0x221: {  	v10 =	vsel vm8, $0x9, v10;
	v3 =	vsel vm3, v5, v3;
	v5 =	vadd.s32 $0x1A, v2  }
0x222: {  	v10 =	vsel vm9, $0xA, v10;
	vm4 =	vgt.f32 v4, v3;
	v9 =	vld.idx.msk [tilespmem:v9+s15+$0x0], $0xffff  }
0x223: {  	v10 =	vsel vm10, $0xB, v10;
	v3 =	vsel vm4, v4, v3;
	v4 =	vadd.s32 $0x1B, v2  }
0x224: {  	v11 =	vadd.s32 $0x20, v2;
	v10 =	vsel vm11, $0xC, v10;
	vm5 =	vgt.f32 v7, v3;
	v6 =	vld.idx.msk [tilespmem:v6+s15+$0x0], $0xffff  }
0x225: {  	v10 =	vsel vm12, $0xD, v10;
	v3 =	vsel vm5, v7, v3;
	v7 =	vadd.s32 $0x1C, v2  }
0x226: {  	v10 =	vsel vm13, $0xE, v10;
	vm6 =	vgt.f32 v8, v3;
	v5 =	vld.idx.msk [tilespmem:v5+s15+$0x0], $0xffff  }
0x227: {  	v10 =	vsel vm14, $0xF, v10;
	v3 =	vsel vm6, v8, v3;
	v8 =	vadd.s32 $0x1D, v2  }
0x228: {  	v10 =	vsel vm15, $0x10, v10;
	vm7 =	vgt.f32 v9, v3;
	v4 =	vld.idx.msk [tilespmem:v4+s15+$0x0], $0xffff  }
0x229: {  	v10 =	vsel vm0, $0x11, v10;
	v3 =	vsel vm7, v9, v3;
	v9 =	vadd.s32 $0x1E, v2;
	v11 =	vld.idx.msk [tilespmem:v11+s15+$0x0], $0xffff  }
0x22a: {  	v10 =	vsel vm1, $0x12, v10;
	vm0 =	vgt.f32 v6, v3;
	v7 =	vld.idx.msk [tilespmem:v7+s15+$0x0], $0xffff  }
0x22b: {  	v10 =	vsel vm2, $0x13, v10;
	v3 =	vsel vm0, v6, v3;
	v6 =	vadd.s32 $0x1F, v2  }
0x22c: {  	v2 =	vsel vm3, $0x14, v10;
	vm1 =	vgt.f32 v5, v3;
	v8 =	vld.idx.msk [tilespmem:v8+s15+$0x0], $0xffff  }
0x22d: {  	v2 =	vsel vm4, $0x15, v2;
	v3 =	vsel vm1, v5, v3  }
0x22e: {  	v2 =	vsel vm5, $0x16, v2;
	vm2 =	vgt.f32 v4, v3;
	v5 =	vld.idx.msk [tilespmem:v9+s15+$0x0], $0xffff  }
0x22f: {  	v9 =	vsel vm6, $0x17, v2;
	v3 =	vsel vm2, v4, v3;
	v4 =	vmul.f32 $8.000000000e+00, v11  }
0x230: {  	v2 =	vor.u32 s24, v0;
	v9 =	vsel vm7, $0x18, v9;
	vm3 =	vgt.f32 v7, v3;
	v6 =	vld.idx.msk [tilespmem:v6+s15+$0x0], $0xffff  }
0x231: {  	v9 =	vsel vm0, $0x19, v9;
	v7 =	vsel vm3, v7, v3;
	v3 =	vtrunc.f32 v4  }
.Ltmp1:
0x232: {  	v4 =	vsel vm1, $0x1A, v9;
	vm0 =	vgt.f32 v8, v7;
	v9 =	vcvt.f32.s32 v3;
	(pc) =	sbr.rel @p0 .LBB2_5-.Ltmp1, $4  }
0x233: {  	v3 =	vmul.u32 $0x147B, v2;
	v4 =	vsel vm2, $0x1B, v4;
	v7 =	vsel vm0, v8, v7  }
0x234: {  	v4 =	vsel vm3, $0x1C, v4;
	vm1 =	vgt.f32 v5, v7;
	vm2 =	vgt.s32 v9, $0x0  }
0x235: {  	v4 =	vsel vm0, $0x1D, v4;
	v5 =	vsel vm1, v5, v7;
	v7 =	vnsel vm2, $0x0, v9  }
0x236: {  	s24 =	sadd.s32 $0x10, s24;
	v4 =	vsel vm1, $0x1E, v4;
	vm0 =	vgt.f32 v6, v5;
	v5 =	vmin.u32 v7, $0x7  }
0x237: {  	v4 =	vsel vm0, $0x1F, v4;
	v5 =	vshll.u32 v5, $0x5;
	v3 =	vshrl.u32 v3, $0x12  }
0x238: {  	v4 =	vadd.s32 v5, v4;
	v33 =	vmul.u32 $0xFFFFFFCE, v3;
	_ =	sdelay $0x1  }
0x239: {  	v2 =	vadd.s32 v2, v33  }
0x23a: {  	v3 =	vmul.u32 $0x7D0, v3;
	v2 =	vmul.u32 $0x28, v2;
	_ =	sdelay $0x1  }
0x23b: {  	v4 =	vld.idx.msk [tilespmem:v4+s13+$0x0], $0xffff;
	v2 =	vadd.s32 v3, v2  }
0x23c: {  	v3 =	vor.u32 $0x1, v2;
	_ =	sdelay $0x2  }
0x23d: {  	s23 =	sadd.s32 $0x10, s23;
	v34 =	vor.u32 $0x2, v2  }
0x23e: {  	[tilespmem:s23+$0x0] =	vst v4  }
0x23f: {  	v35 =	vor.u32 $0x3, v2;
	v3 =	vld.idx.msk [tilespmem:v3+s15+$0x0], $0xffff  }
0x240: {  	v6 =	vld.idx.msk [tilespmem:v2+s15+$0x0], $0xffff  }
0x241: {  	v7 =	vor.u32 $0x4, v2  }
0x242: {  	v5 =	vld.idx.msk [tilespmem:v34+s15+$0x0], $0xffff  }
0x243: {  	v8 =	vor.u32 $0x5, v2  }
0x244: {  	v4 =	vld.idx.msk [tilespmem:v35+s15+$0x0], $0xffff  }
0x245: {  	v9 =	vor.u32 $0x6, v2;
	vm0 =	vgt.f32 v3, v6  }
0x246: {  	v7 =	vld.idx.msk [tilespmem:v7+s15+$0x0], $0xffff;
	v3 =	vsel vm0, v3, v6  }
0x247: {  	v36 =	vor.u32 $0x7, v2;
	vm1 =	vgt.f32 v5, v3  }
0x248: {  	v8 =	vld.idx.msk [tilespmem:v8+s15+$0x0], $0xffff;
	v3 =	vsel vm1, v5, v3  }
0x249: {  	v37 =	vadd.s32 $0x8, v2;
	vm2 =	vgt.f32 v4, v3  }
0x24a: {  	v9 =	vld.idx.msk [tilespmem:v9+s15+$0x0], $0xffff;
	v3 =	vsel vm2, v4, v3  }
0x24b: {  	v38 =	vadd.s32 $0x9, v2;
	vm3 =	vgt.f32 v7, v3  }
0x24c: {  	v6 =	vld.idx.msk [tilespmem:v36+s15+$0x0], $0xffff;
	v3 =	vsel vm3, v7, v3  }
0x24d: {  	v39 =	vadd.s32 $0xA, v2;
	vm4 =	vgt.f32 v8, v3  }
0x24e: {  	v5 =	vld.idx.msk [tilespmem:v37+s15+$0x0], $0xffff;
	v3 =	vsel vm4, v8, v3  }
0x24f: {  	v40 =	vadd.s32 $0xB, v2;
	vm5 =	vgt.f32 v9, v3  }
0x250: {  	v4 =	vld.idx.msk [tilespmem:v38+s15+$0x0], $0xffff;
	v3 =	vsel vm5, v9, v3  }
0x251: {  	v41 =	vadd.s32 $0xC, v2;
	vm6 =	vgt.f32 v6, v3  }
0x252: {  	v7 =	vld.idx.msk [tilespmem:v39+s15+$0x0], $0xffff;
	v3 =	vsel vm6, v6, v3  }
0x253: {  	v42 =	vadd.s32 $0xD, v2;
	vm7 =	vgt.f32 v5, v3  }
0x254: {  	v8 =	vld.idx.msk [tilespmem:v40+s15+$0x0], $0xffff;
	v3 =	vsel vm7, v5, v3  }
0x255: {  	v43 =	vadd.s32 $0xE, v2;
	vm8 =	vgt.f32 v4, v3  }
0x256: {  	v9 =	vld.idx.msk [tilespmem:v41+s15+$0x0], $0xffff;
	v3 =	vsel vm8, v4, v3  }
0x257: {  	v44 =	vadd.s32 $0xF, v2;
	vm9 =	vgt.f32 v7, v3  }
0x258: {  	v6 =	vld.idx.msk [tilespmem:v42+s15+$0x0], $0xffff;
	v3 =	vsel vm9, v7, v3  }
0x259: {  	v45 =	vadd.s32 $0x10, v2;
	vm10 =	vgt.f32 v8, v3  }
0x25a: {  	v5 =	vld.idx.msk [tilespmem:v43+s15+$0x0], $0xffff;
	v3 =	vsel vm10, v8, v3  }
0x25b: {  	v46 =	vadd.s32 $0x11, v2;
	vm11 =	vgt.f32 v9, v3  }
0x25c: {  	v4 =	vld.idx.msk [tilespmem:v44+s15+$0x0], $0xffff;
	v3 =	vsel vm11, v9, v3  }
0x25d: {  	v47 =	vadd.s32 $0x12, v2;
	vm12 =	vgt.f32 v6, v3  }
0x25e: {  	v7 =	vld.idx.msk [tilespmem:v45+s15+$0x0], $0xffff;
	v3 =	vsel vm12, v6, v3  }
0x25f: {  	v48 =	vadd.s32 $0x13, v2;
	vm13 =	vgt.f32 v5, v3  }
0x260: {  	v8 =	vld.idx.msk [tilespmem:v46+s15+$0x0], $0xffff;
	v3 =	vsel vm13, v5, v3  }
0x261: {  	v49 =	vadd.s32 $0x14, v2;
	vm14 =	vgt.f32 v4, v3  }
0x262: {  	v9 =	vld.idx.msk [tilespmem:v47+s15+$0x0], $0xffff;
	v3 =	vsel vm14, v4, v3  }
0x263: {  	v50 =	vadd.s32 $0x15, v2;
	vm15 =	vgt.f32 v7, v3  }
0x264: {  	v10 =	vsel vm0, $0x1, v1;
	v6 =	vld.idx.msk [tilespmem:v48+s15+$0x0], $0xffff;
	v3 =	vsel vm15, v7, v3  }
0x265: {  	v51 =	vadd.s32 $0x16, v2;
	v10 =	vsel vm1, $0x2, v10;
	vm0 =	vgt.f32 v8, v3  }
0x266: {  	v10 =	vsel vm2, $0x3, v10;
	v5 =	vld.idx.msk [tilespmem:v49+s15+$0x0], $0xffff;
	v3 =	vsel vm0, v8, v3  }
0x267: {  	v52 =	vadd.s32 $0x17, v2;
	v10 =	vsel vm3, $0x4, v10;
	vm1 =	vgt.f32 v9, v3  }
0x268: {  	v10 =	vsel vm4, $0x5, v10;
	v4 =	vld.idx.msk [tilespmem:v50+s15+$0x0], $0xffff;
	v3 =	vsel vm1, v9, v3  }
0x269: {  	v53 =	vadd.s32 $0x18, v2;
	v10 =	vsel vm5, $0x6, v10;
	vm2 =	vgt.f32 v6, v3  }
0x26a: {  	v10 =	vsel vm6, $0x7, v10;
	v7 =	vld.idx.msk [tilespmem:v51+s15+$0x0], $0xffff;
	v3 =	vsel vm2, v6, v3  }
0x26b: {  	v54 =	vadd.s32 $0x19, v2;
	v10 =	vsel vm7, $0x8, v10;
	vm3 =	vgt.f32 v5, v3  }
0x26c: {  	v10 =	vsel vm8, $0x9, v10;
	v8 =	vld.idx.msk [tilespmem:v52+s15+$0x0], $0xffff;
	v3 =	vsel vm3, v5, v3  }
0x26d: {  	v55 =	vadd.s32 $0x1A, v2;
	v10 =	vsel vm9, $0xA, v10;
	vm4 =	vgt.f32 v4, v3  }
0x26e: {  	v10 =	vsel vm10, $0xB, v10;
	v9 =	vld.idx.msk [tilespmem:v53+s15+$0x0], $0xffff;
	v3 =	vsel vm4, v4, v3  }
0x26f: {  	v56 =	vadd.s32 $0x1B, v2;
	v10 =	vsel vm11, $0xC, v10;
	vm11 =	vgt.f32 v7, v3  }
0x270: {  	v11 =	vadd.s32 $0x20, v2;
	v10 =	vsel vm12, $0xD, v10;
	v6 =	vld.idx.msk [tilespmem:v54+s15+$0x0], $0xffff;
	v3 =	vsel vm11, v7, v3  }
0x271: {  	v57 =	vadd.s32 $0x1C, v2;
	v10 =	vsel vm13, $0xE, v10;
	vm13 =	vgt.f32 v8, v3  }
0x272: {  	v10 =	vsel vm14, $0xF, v10;
	v5 =	vld.idx.msk [tilespmem:v55+s15+$0x0], $0xffff;
	v3 =	vsel vm13, v8, v3  }
0x273: {  	v58 =	vadd.s32 $0x1D, v2;
	v10 =	vsel vm15, $0x10, v10;
	vm15 =	vgt.f32 v9, v3  }
0x274: {  	v10 =	vsel vm0, $0x11, v10;
	v4 =	vld.idx.msk [tilespmem:v56+s15+$0x0], $0xffff;
	v3 =	vsel vm15, v9, v3  }
0x275: {  	v59 =	vadd.s32 $0x1E, v2;
	v11 =	vld.idx.msk [tilespmem:v11+s15+$0x0], $0xffff;
	v10 =	vsel vm1, $0x12, v10;
	vm8 =	vgt.f32 v6, v3  }
0x276: {  	v10 =	vsel vm2, $0x13, v10;
	v7 =	vld.idx.msk [tilespmem:v57+s15+$0x0], $0xffff;
	v3 =	vsel vm8, v6, v3  }
0x277: {  	v2 =	vadd.s32 $0x1F, v2;
	v60 =	vsel vm3, $0x14, v10;
	vm9 =	vgt.f32 v5, v3  }
0x278: {  	v8 =	vld.idx.msk [tilespmem:v58+s15+$0x0], $0xffff;
	v6 =	vsel vm4, $0x15, v60;
	v3 =	vsel vm9, v5, v3  }
0x279: {  	v61 =	vsel vm11, $0x16, v6;
	vm10 =	vgt.f32 v4, v3  }
0x27a: {  	v62 =	vld.idx.msk [tilespmem:v59+s15+$0x0], $0xffff;
	v63 =	vmul.f32 $8.000000000e+00, v11;
	v5 =	vsel vm13, $0x17, v61;
	v3 =	vsel vm10, v4, v3  }
0x27b: {  	v5 =	vsel vm15, $0x18, v5;
	vm11 =	vgt.f32 v7, v3  }
0x27c: {  	v2 =	vld.idx.msk [tilespmem:v2+s15+$0x0], $0xffff;
	v5 =	vsel vm8, $0x19, v5;
	v4 =	vtrunc.f32 v63;
	v3 =	vsel vm11, v7, v3  }
0x27d: {  	v5 =	vsel vm9, $0x1A, v5;
	v4 =	vcvt.f32.s32 v4;
	vm12 =	vgt.f32 v8, v3  }
0x27e: {  	v5 =	vsel vm10, $0x1B, v5;
	v3 =	vsel vm12, v8, v3  }
0x27f: {  	v5 =	vsel vm11, $0x1C, v5;
	vm14 =	vgt.s32 v4, $0x0;
	vm13 =	vgt.f32 v62, v3  }
0x280: {  	v5 =	vsel vm12, $0x1D, v5;
	v4 =	vnsel vm14, $0x0, v4;
	v3 =	vsel vm13, v62, v3  }
0x281: {  	v5 =	vsel vm13, $0x1E, v5;
	vm15 =	vgt.f32 v2, v3;
	v2 =	vmin.u32 v4, $0x7  }
0x282: {  	v3 =	vsel vm15, $0x1F, v5;
	v2 =	vshll.u32 v2, $0x5  }
0x283: {  	v2 =	vadd.s32 v2, v3;
	_ =	sdelay $0x4  }
0x284: {  	v2 =	vld.idx.msk [tilespmem:v2+s13+$0x0], $0xffff;
	_ =	sdelay $0x2  }
0x285: {  	s21 =	sadd.s32 s21, s10  }
0x286: {  	s21 =	sshrl.u32 s21, $0x3;
	s23 =	sadd.s32 $0x10, s23  }
0x287: {  	s31 =	smin.u32 s22, $0x3C;
	s20 =	sadd.s32 $0x1, s20;
	s21 =	sadd.s32 s2, s21;
	[tilespmem:s23+$0x0] =	vst v2  }
0x288: {  	[hbm4b:s21+s3] =	stream.linear.scatter [tilespmem:s18], [sflag:$0x3], $0x190, $0x38;
	[tilespmem:$0x7F90] =	vst v63  }
0x289: {  	p0 =	sne.s32 s20, $0x20;
	s21 =	sshll.u32 s31, $0x3  }
.Ltmp2:
0x28a: {  	s21 =	sadd.s32 s21, s11;
	(pc) =	sbr.rel @p0 .LBB2_2-.Ltmp2, $4  }
0x28b: {  	_ =	swait.ge [sflag:s14], $0x190;
	s21 =	smul.u32 $0xFA, s21  }
0x28c: {  	[sflag:s14] =	ssyncset.done $0x0  }
0x28d: {  	[sflag:s14] =	ssyncadd.s32 $0xFFFFFE70;
	s21 =	sadd.s32 s4, s21  }
0x28e: {  	[tilespmem:s15], [sflag:$0x2] =	stream.linear.gather [hbm4b:s21+s3], $0x3E80, $0x38;
	[tilespmem:$0x7F90] =	vst v63  }
0x28f: {  	s19 =	sadd.s32 $0x1, s19  }
0x290: {  	_ =	swait.ge [sflag:s16], $0x3E80;
	p0 =	sne.s32 s19, s12  }
.Ltmp3:
0x291: {  	[sflag:s16] =	ssyncset.done $0x0;
	(pc) =	sbr.rel @p0 .LBB2_1-.Ltmp3, $4  }
0x292: {  	[sflag:s16] =	ssyncadd.s32 $0xFFFFC180  }
0x293: {  	_ =	swait.ge [sflag:s17], $0x3E80  }
0x294: {  	[sflag:s17] =	ssyncset.done $0x0  }
0x295: {  	[sflag:s17] =	ssyncadd.s32 $0xFFFFC180  }
0x296: {  	_ =	sfence.sel $0x180000  }
0x297: {  	[bflag:$0x0] =	sbarrier.arrive $0xFFFF  }
0x298: {  	p0 =	sne.s32 s1, $0x0;
	_ =	strace $0x90000047  }
0x299: {  	s0 =	sadd.s32 @!p0 $0x100000, s0;
	[bflag:$0x2] =	sbarrier.arrive $0xFFFF  }
0x29a: {  	[sflag:s0] =	ssyncadd.tile.s32 @!p0 $0x1;
	_ =	shalt  }
.Lfunc_end2:
_tile_overlayer_lowered:
.L_overlay_start_2:
0x29b: {  	(tag) =	ssettag $0x2  }
0x29c: {  	s0 =	rddreg [dreg:$0x0];
	s2 =	stileid.u32  }
0x29d: {  	s1 =	rddreg [dreg:$0x1];
	p0 =	sne.s32 s2, $0x0  }
0x29e: {  	s3 =	rddreg [dreg:$0x2];
	[bflag:$0x3] =	sbarrier.arrive $0xFFFF;
	s2 =	simm.s32 @!p0 $0x1C03  }
0x29f: {  	[timem:s3], [sflag:s2] =	dma.local @!p0 [hbm:s0], s1  }
0x2a0: {  	s0 =	simm.s32 @!p0 $0x3  }
0x2a1: {  	_ =	swait.ge @!p0 [sflag:s0], s1  }
0x2a2: {  	s1 =	ssub.s32 @!p0 $0x0, s1;
	[sflag:s0] =	ssyncset.done @!p0 $0x0  }
0x2a3: {  	[sflag:s0] =	ssyncadd.s32 @!p0 s1  }
0x2a4: {  	[bflag:$0x3] =	sbarrier.arrive $0xFFFF  }
0x2a5: {  	_ =	shalt  }

</sc_bundles>
